<compile_context>
chip_gen: v7x
topology: tpu7x:2x2x1
jax: 0.10.2.dev20260603
libtpu: 0.0.44.dev20260713+nightly
codegen_flags: <defaults>
</compile_context>

<pallas_src>
import jax
import jax.numpy as jnp
from jax import lax
from jax.experimental import pallas as pl
from jax.experimental.pallas import tpu as pltpu
from jax.experimental.pallas import tpu_sc as plsc

N_NODES = 10000
N_EDGES = 160000
D_IN = 256
D_OUT = 256
HALF = D_OUT // 2

NUM_SC = 2
NUM_TILES = 16
CHUNK = 128
N_CHUNKS = N_EDGES // CHUNK
CHUNKS_PER_TILE = (N_CHUNKS + NUM_TILES - 1) // NUM_TILES
ACC_ROWS = N_NODES + 8
ROWS_MAIN = 624
ROWS_LAST = N_NODES - (NUM_TILES - 1) * ROWS_MAIN


def _matmul_half(x, W):
    RB = 1000

    def body(x_ref, w_ref, o_ref):
        o_ref[0] = jnp.dot(x_ref[...], w_ref[0], preferred_element_type=jnp.float32)

    w2 = W.reshape(D_IN, 2, HALF).transpose(1, 0, 2)
    return pl.pallas_call(
        body,
        grid=(NUM_SC, N_NODES // RB),
        in_specs=[
            pl.BlockSpec((RB, D_IN), lambda c, i: (i, 0)),
            pl.BlockSpec((1, D_IN, HALF), lambda c, i: (c, 0, 0)),
        ],
        out_specs=pl.BlockSpec((1, RB, HALF), lambda c, i: (c, i, 0)),
        out_shape=jax.ShapeDtypeStruct((NUM_SC, N_NODES, HALF), jnp.float32),
    )(x, w2)


CH_MAIN = 80
CH_LAST = N_CHUNKS - (NUM_TILES - 1) * CH_MAIN


def _sc_aggregate(h2, src, dst, b):
    mesh = plsc.VectorSubcoreMesh(core_axis_name="c", subcore_axis_name="s")

    def body(h_hbm, srcf_hbm, dstf_hbm, b_hbm, out_hbm,
             acc, srcb, bbuf, rows0, rows1, dst0, dst1,
             sem, semg0, semg1, semd0, semd1):
        c = lax.axis_index("c")
        s = lax.axis_index("s")
        h_c = h_hbm.at[c]
        c0 = s * CH_MAIN

        e00 = c0 * CHUNK
        cp_s_big = pltpu.make_async_copy(
            srcf_hbm.at[pl.ds(e00, CH_MAIN * CHUNK)], srcb, sem)
        cp_s_sml = pltpu.make_async_copy(
            srcf_hbm.at[pl.ds(e00, CH_LAST * CHUNK)],
            srcb.at[pl.ds(0, CH_LAST * CHUNK)], sem)

        @pl.when(s < NUM_TILES - 1)
        def _():
            cp_s_big.start()

        @pl.when(s == NUM_TILES - 1)
        def _():
            cp_s_sml.start()

        @pl.when(c == 0)
        def _():
            pltpu.sync_copy(b_hbm.at[pl.ds(0, HALF)], bbuf)

        @pl.when(c == 1)
        def _():
            pltpu.sync_copy(b_hbm.at[pl.ds(HALF, HALF)], bbuf)

        @pl.loop(0, CHUNK)
        def _(r):
            @pl.loop(0, HALF, step=16)
            def _(cc):
                rows0[r, pl.ds(cc, 16)] = bbuf[pl.ds(cc, 16)]

        row0 = s * ROWS_MAIN

        def init_rows(nrows):
            full = nrows // CHUNK
            rem = nrows - full * CHUNK

            @pl.loop(0, full)
            def _(k):
                pltpu.sync_copy(rows0, acc.at[pl.ds(row0 + k * CHUNK, CHUNK)])

            if rem:
                pltpu.sync_copy(
                    rows0.at[pl.ds(0, rem)], acc.at[pl.ds(row0 + full * CHUNK, rem)]
                )

        @pl.when(s < NUM_TILES - 1)
        def _():
            init_rows(ROWS_MAIN)

        @pl.when(s == NUM_TILES - 1)
        def _():
            init_rows(ROWS_LAST)

        @pl.when(s < NUM_TILES - 1)
        def _():
            cp_s_big.wait()

        @pl.when(s == NUM_TILES - 1)
        def _():
            cp_s_sml.wait()

        plsc.subcore_barrier()

        def start_g(j, rb, sg):
            pltpu.make_async_copy(
                h_c.at[srcb.at[pl.ds(j * CHUNK, CHUNK)]], rb, sg).start()

        def wait_g(rb, sg):
            pltpu.make_async_copy(
                h_c.at[srcb.at[pl.ds(0, CHUNK)]], rb, sg).wait()

        def start_d(g, db, sd):
            e0 = (c0 + g) * CHUNK
            pltpu.make_async_copy(dstf_hbm.at[pl.ds(e0, CHUNK)], db, sd).start()

        def wait_d(db, sd):
            pltpu.make_async_copy(dstf_hbm.at[pl.ds(0, CHUNK)], db, sd).wait()

        def run_chunks(n):
            start_d(0, dst0, semd0)
            start_d(1, dst1, semd1)
            start_g(0, rows0, semg0)
            start_g(1, rows1, semg1)

            @pl.loop(0, n - 2, step=2)
            def _(g):
                wait_g(rows0, semg0)
                wait_d(dst0, semd0)
                pltpu.sync_copy(rows0, acc.at[dst0], add=True)
                start_g(g + 2, rows0, semg0)
                start_d(g + 2, dst0, semd0)

                wait_g(rows1, semg1)
                wait_d(dst1, semd1)
                pltpu.sync_copy(rows1, acc.at[dst1], add=True)
                start_g(g + 3, rows1, semg1)
                start_d(g + 3, dst1, semd1)

            wait_g(rows0, semg0)
            wait_d(dst0, semd0)
            pltpu.sync_copy(rows0, acc.at[dst0], add=True)
            wait_g(rows1, semg1)
            wait_d(dst1, semd1)
            pltpu.sync_copy(rows1, acc.at[dst1], add=True)

        @pl.when(s < NUM_TILES - 1)
        def _():
            run_chunks(CH_MAIN)

        @pl.when(s == NUM_TILES - 1)
        def _():
            run_chunks(CH_LAST)

        plsc.subcore_barrier()

        def writeout(nrows):
            @pl.when(c == 0)
            def _():
                pltpu.sync_copy(
                    acc.at[pl.ds(row0, nrows)],
                    out_hbm.at[pl.ds(row0, nrows), pl.ds(0, HALF)],
                )

            @pl.when(c == 1)
            def _():
                pltpu.sync_copy(
                    acc.at[pl.ds(row0, nrows)],
                    out_hbm.at[pl.ds(row0, nrows), pl.ds(HALF, HALF)],
                )

        @pl.when(s < NUM_TILES - 1)
        def _():
            writeout(ROWS_MAIN)

        @pl.when(s == NUM_TILES - 1)
        def _():
            writeout(ROWS_LAST)

    kern = pl.kernel(
        body,
        out_type=jax.ShapeDtypeStruct((N_NODES, D_OUT), jnp.float32),
        mesh=mesh,
        scratch_types=[
            pltpu.VMEM_SHARED((ACC_ROWS, HALF), jnp.float32),
            pltpu.VMEM((CH_MAIN * CHUNK,), jnp.int32),
            pltpu.VMEM((HALF,), jnp.float32),
            pltpu.VMEM((CHUNK, HALF), jnp.float32),
            pltpu.VMEM((CHUNK, HALF), jnp.float32),
            pltpu.VMEM((CHUNK,), jnp.int32),
            pltpu.VMEM((CHUNK,), jnp.int32),
            pltpu.SemaphoreType.DMA,
            pltpu.SemaphoreType.DMA,
            pltpu.SemaphoreType.DMA,
            pltpu.SemaphoreType.DMA,
            pltpu.SemaphoreType.DMA,
        ],
    )
    return kern(h2, src, dst, b)


def kernel(x, edge, W, b):
    src = edge[0].astype(jnp.int32)
    dst = edge[1].astype(jnp.int32)
    h2 = _matmul_half(x, W)
    return _sc_aggregate(h2, src, dst, b)

# --- scband reference (transcript-rebuilt; emitter-appended) ---
"""Pipeline reference for scband-gcn-50414326120657 (READ-ONLY COPY).

The authoritative reference and input builder live on the scoring server;
editing this copy changes nothing except your own understanding.
"""

import jax, jax.numpy as jnp
import numpy as np

N_NODES = 10000
N_EDGES = 160000
D_IN = 256
D_OUT = 256

def setup_inputs(seed: int = 0) -> dict:
    key = jax.random.key(seed)
    k1, k2, k3, k4 = jax.random.split(key, 4)
    x = jax.random.normal(k1, (N_NODES, D_IN), dtype=jnp.float32)
    edge = jax.random.randint(k2, (2, N_EDGES), 0, N_NODES, dtype=jnp.int64)
    # GCNConv linear weight (glorot-style init), bias added after aggregation
    W = jax.random.normal(k3, (D_IN, D_OUT), dtype=jnp.float32) * (1.0 / np.sqrt(D_IN))
    b = jnp.zeros((D_OUT,), dtype=jnp.float32)
    return {"x": x, "edge": edge, "W": W, "b": b}

def reference(x, edge, W, b):
    # GCNConv(normalize=False): h = x @ W; out[dst] = sum_{(src,dst) in E} h[src]; out += bias
    h = x @ W  # [N, D_OUT]
    src = edge[0]
    dst = edge[1]
    msgs = jnp.take(h, src, axis=0)  # gather: [E, D_OUT]
    out = jax.ops.segment_sum(msgs, dst, num_segments=N_NODES)  # scatter-add
    out = out + b
    return out

if __name__ == "__main__":
    import jax
    _d = setup_inputs()
    print(jax.jit(kernel)(*tuple(_d.values())))

</pallas_src>

<mosaic_0001>
#map = affine_map<(d0, d1) -> (0, 0, 0)>
#map1 = affine_map<(d0, d1) -> (0)>
#map2 = affine_map<(d0, d1) -> (0, 0)>
module attributes {stable_mosaic.version = 14 : i64} {
  func.func @body(%arg0: i32, %arg1: i32, %arg2: memref<2x10000x128xf32, #tpu.memory_space<hbm>>, %arg3: memref<160000xi32, #tpu.memory_space<hbm>>, %arg4: memref<160000xi32, #tpu.memory_space<hbm>>, %arg5: memref<256xf32, #tpu.memory_space<hbm>>, %arg6: memref<10000x256xf32, #tpu.memory_space<hbm>>, %arg7: memref<10008x128xf32, #tpu.memory_space<vmem_shared>>, %arg8: memref<10240xi32, #tpu.memory_space<vmem>>, %arg9: memref<128xf32, #tpu.memory_space<vmem>>, %arg10: memref<128x128xf32, #tpu.memory_space<vmem>>, %arg11: memref<128x128xf32, #tpu.memory_space<vmem>>, %arg12: memref<128xi32, #tpu.memory_space<vmem>>, %arg13: memref<128xi32, #tpu.memory_space<vmem>>, %arg14: memref<!tpu.dma_semaphore, #tpu.memory_space<semaphore_mem>>, %arg15: memref<!tpu.dma_semaphore, #tpu.memory_space<semaphore_mem>>, %arg16: memref<!tpu.dma_semaphore, #tpu.memory_space<semaphore_mem>>, %arg17: memref<!tpu.dma_semaphore, #tpu.memory_space<semaphore_mem>>, %arg18: memref<!tpu.dma_semaphore, #tpu.memory_space<semaphore_mem>>) attributes {dimension_semantics = [#tpu.dimension_semantics<core_parallel>, #tpu.dimension_semantics<subcore_parallel>], iteration_bounds = array<i64: 2, 16>, scalar_prefetch = 0 : i64, scratch_operands = 12 : i64, tpu.core_type = #tpu.core_type<sc_vector_subcore>, window_params = [{transform_indices = #map}, {transform_indices = #map1}, {transform_indices = #map1}, {transform_indices = #map1}, {transform_indices = #map2}]} {
    %mul3A = arith.constant 80 : i32
    %mul3A_0 = arith.muli %arg1, %mul3A : i32
    %mul3A_1 = arith.constant 128 : i32
    %mul3A_2 = arith.muli %mul3A_0, %mul3A_1 : i32
    %lt3A = arith.constant 15 : i32
    %lt3A_3 = arith.cmpi slt, %arg1, %lt3A : i32
    %convert_element_type3A = arith.extui %lt3A_3 : i1 to i32
    %cond3A = arith.constant 0 : i32
    %cond3A_4 = arith.cmpi ne, %convert_element_type3A, %cond3A : i32
    scf.if %cond3A_4 {
      %dma_start3A = tpu.memref_slice %arg3[%mul3A_2] : memref<160000xi32, #tpu.memory_space<hbm>> -> memref<10240xi32, #tpu.memory_space<hbm>>
      %dma_start3A_66 = tpu.memref_slice %arg3[%mul3A_2] : memref<160000xi32, #tpu.memory_space<hbm>> -> memref<10240xi32, #tpu.memory_space<hbm>>
      tpu.enqueue_dma source(%dma_start3A_66 : memref<10240xi32, #tpu.memory_space<hbm>>) target(%arg8 : memref<10240xi32, #tpu.memory_space<vmem>>) target_semaphore(%arg14 : memref<!tpu.dma_semaphore, #tpu.memory_space<semaphore_mem>>)
    } else {
    }
    %eq3A = arith.constant 15 : i32
    %eq3A_5 = arith.cmpi eq, %arg1, %eq3A : i32
    %convert_element_type3A_6 = arith.extui %eq3A_5 : i1 to i32
    %cond3A_7 = arith.constant 0 : i32
    %cond3A_8 = arith.cmpi ne, %convert_element_type3A_6, %cond3A_7 : i32
    scf.if %cond3A_8 {
      %dma_start3A = arith.constant 0 : i32
      %dma_start3A_66 = tpu.memref_slice %arg8[%dma_start3A] : memref<10240xi32, #tpu.memory_space<vmem>> -> memref<6400xi32, #tpu.memory_space<vmem>>
      %dma_start3A_67 = tpu.memref_slice %arg3[%mul3A_2] : memref<160000xi32, #tpu.memory_space<hbm>> -> memref<6400xi32, #tpu.memory_space<hbm>>
      %dma_start3A_68 = arith.constant 0 : i32
      %dma_start3A_69 = tpu.memref_slice %arg8[%dma_start3A_68] : memref<10240xi32, #tpu.memory_space<vmem>> -> memref<6400xi32, #tpu.memory_space<vmem>>
      %dma_start3A_70 = tpu.memref_slice %arg3[%mul3A_2] : memref<160000xi32, #tpu.memory_space<hbm>> -> memref<6400xi32, #tpu.memory_space<hbm>>
      tpu.enqueue_dma source(%dma_start3A_70 : memref<6400xi32, #tpu.memory_space<hbm>>) target(%dma_start3A_69 : memref<6400xi32, #tpu.memory_space<vmem>>) target_semaphore(%arg14 : memref<!tpu.dma_semaphore, #tpu.memory_space<semaphore_mem>>)
    } else {
    }
    %eq3A_9 = arith.constant 0 : i32
    %eq3A_10 = arith.cmpi eq, %arg0, %eq3A_9 : i32
    %convert_element_type3A_11 = arith.extui %eq3A_10 : i1 to i32
    %cond3A_12 = arith.constant 0 : i32
    %cond3A_13 = arith.cmpi ne, %convert_element_type3A_11, %cond3A_12 : i32
    scf.if %cond3A_13 {
      "tpu.region"() ({
        %run_scoped3A = tpu.sem_alloc : memref<!tpu.dma_semaphore, #tpu.memory_space<semaphore_mem>>
        %dma_start3A = arith.constant 0 : i32
        %dma_start3A_66 = tpu.memref_slice %arg5[%dma_start3A] : memref<256xf32, #tpu.memory_space<hbm>> -> memref<128xf32, #tpu.memory_space<hbm>>
        %dma_start3A_67 = arith.constant 0 : i32
        %dma_start3A_68 = tpu.memref_slice %arg5[%dma_start3A_67] : memref<256xf32, #tpu.memory_space<hbm>> -> memref<128xf32, #tpu.memory_space<hbm>>
        tpu.enqueue_dma source(%dma_start3A_68 : memref<128xf32, #tpu.memory_space<hbm>>) target(%arg9 : memref<128xf32, #tpu.memory_space<vmem>>) target_semaphore(%run_scoped3A : memref<!tpu.dma_semaphore, #tpu.memory_space<semaphore_mem>>)
        %dma_wait3A = arith.constant 0 : i32
        %dma_wait3A_69 = tpu.memref_slice %arg5[%dma_wait3A] : memref<256xf32, #tpu.memory_space<hbm>> -> memref<128xf32, #tpu.memory_space<hbm>>
        %dma_wait3A_70 = arith.constant 0 : i32
        %dma_wait3A_71 = tpu.memref_slice %arg5[%dma_wait3A_70] : memref<256xf32, #tpu.memory_space<hbm>> -> memref<128xf32, #tpu.memory_space<hbm>>
        tpu.wait_dma2 semaphore(%run_scoped3A : memref<!tpu.dma_semaphore, #tpu.memory_space<semaphore_mem>>) src(%dma_wait3A_71 : memref<128xf32, #tpu.memory_space<hbm>>) dst(%arg9 : memref<128xf32, #tpu.memory_space<vmem>>)
        tpu.yield
      }) : () -> ()
    } else {
    }
    %eq3A_14 = arith.constant 1 : i32
    %eq3A_15 = arith.cmpi eq, %arg0, %eq3A_14 : i32
    %convert_element_type3A_16 = arith.extui %eq3A_15 : i1 to i32
    %cond3A_17 = arith.constant 0 : i32
    %cond3A_18 = arith.cmpi ne, %convert_element_type3A_16, %cond3A_17 : i32
    scf.if %cond3A_18 {
      "tpu.region"() ({
        %run_scoped3A = tpu.sem_alloc : memref<!tpu.dma_semaphore, #tpu.memory_space<semaphore_mem>>
        %dma_start3A = arith.constant 128 : i32
        %dma_start3A_66 = tpu.memref_slice %arg5[%dma_start3A] : memref<256xf32, #tpu.memory_space<hbm>> -> memref<128xf32, #tpu.memory_space<hbm>>
        %dma_start3A_67 = arith.constant 128 : i32
        %dma_start3A_68 = tpu.memref_slice %arg5[%dma_start3A_67] : memref<256xf32, #tpu.memory_space<hbm>> -> memref<128xf32, #tpu.memory_space<hbm>>
        tpu.enqueue_dma source(%dma_start3A_68 : memref<128xf32, #tpu.memory_space<hbm>>) target(%arg9 : memref<128xf32, #tpu.memory_space<vmem>>) target_semaphore(%run_scoped3A : memref<!tpu.dma_semaphore, #tpu.memory_space<semaphore_mem>>)
        %dma_wait3A = arith.constant 128 : i32
        %dma_wait3A_69 = tpu.memref_slice %arg5[%dma_wait3A] : memref<256xf32, #tpu.memory_space<hbm>> -> memref<128xf32, #tpu.memory_space<hbm>>
        %dma_wait3A_70 = arith.constant 128 : i32
        %dma_wait3A_71 = tpu.memref_slice %arg5[%dma_wait3A_70] : memref<256xf32, #tpu.memory_space<hbm>> -> memref<128xf32, #tpu.memory_space<hbm>>
        tpu.wait_dma2 semaphore(%run_scoped3A : memref<!tpu.dma_semaphore, #tpu.memory_space<semaphore_mem>>) src(%dma_wait3A_71 : memref<128xf32, #tpu.memory_space<hbm>>) dst(%arg9 : memref<128xf32, #tpu.memory_space<vmem>>)
        tpu.yield
      }) : () -> ()
    } else {
    }
    %scan3A = arith.constant 0 : i32
    %scan3A_19 = arith.constant 128 : i32
    %scan3A_20 = arith.addi %scan3A, %scan3A_19 : i32
    %scan3A_21 = arith.constant 1 : i32
    scf.for %scan3A_66 = %scan3A to %scan3A_20 step %scan3A_21  : i32 {
      %mul3A_67 = arith.constant 1 : i32
      %mul3A_68 = arith.muli %scan3A_66, %mul3A_67 : i32
      %add3A = arith.constant 0 : i32
      %add3A_69 = arith.addi %add3A, %mul3A_68 : i32
      %scan3A_70 = arith.constant 0 : i32
      %scan3A_71 = arith.constant 8 : i32
      %scan3A_72 = arith.addi %scan3A_70, %scan3A_71 : i32
      %scan3A_73 = arith.constant 1 : i32
      scf.for %scan3A_75 = %scan3A_70 to %scan3A_72 step %scan3A_73  : i32 {
        %mul3A_76 = arith.constant 16 : i32
        %mul3A_77 = arith.muli %scan3A_75, %mul3A_76 : i32
        %add3A_78 = arith.constant 0 : i32
        %add3A_79 = arith.addi %add3A_78, %mul3A_77 : i32
        %get3A = arith.index_cast %add3A_79 : i32 to index
        %get3A_80 = tpu.vector_load %arg9[%get3A] {strides = array<i32>} : memref<128xf32, #tpu.memory_space<vmem>>, vector<16xf32>,
        %get3A_81 = vector.shape_cast %get3A_80 : vector<16xf32> to vector<16xf32>
        %swap3A = arith.index_cast %add3A_69 : i32 to index
        %swap3A_82 = arith.index_cast %add3A_79 : i32 to index
        %swap3A_83 = tpu.vector_load %arg10[%swap3A, %swap3A_82] {strides = array<i32>} : memref<128x128xf32, #tpu.memory_space<vmem>>, vector<1x16xf32>,
        %swap3A_84 = vector.shape_cast %swap3A_83 : vector<1x16xf32> to vector<16xf32>
        %swap3A_85 = vector.shape_cast %get3A_81 : vector<16xf32> to vector<1x16xf32>
        tpu.vector_store %arg10[%swap3A, %swap3A_82], %swap3A_85 {strides = array<i32>} : memref<128x128xf32, #tpu.memory_space<vmem>>, vector<1x16xf32>,
      }
      %scan3A_74 = arith.constant 8 : i32
    }
    %scan3A_22 = arith.constant 128 : i32
    %mul3A_23 = arith.constant 624 : i32
    %mul3A_24 = arith.muli %arg1, %mul3A_23 : i32
    %lt3A_25 = arith.constant 15 : i32
    %lt3A_26 = arith.cmpi slt, %arg1, %lt3A_25 : i32
    %convert_element_type3A_27 = arith.extui %lt3A_26 : i1 to i32
    %cond3A_28 = arith.constant 0 : i32
    %cond3A_29 = arith.cmpi ne, %convert_element_type3A_27, %cond3A_28 : i32
    scf.if %cond3A_29 {
      %scan3A_66 = arith.constant 0 : i32
      %scan3A_67 = arith.constant 4 : i32
      %scan3A_68 = arith.addi %scan3A_66, %scan3A_67 : i32
      %scan3A_69 = arith.constant 1 : i32
      scf.for %scan3A_72 = %scan3A_66 to %scan3A_68 step %scan3A_69  : i32 {
        %mul3A_73 = arith.constant 1 : i32
        %mul3A_74 = arith.muli %scan3A_72, %mul3A_73 : i32
        %add3A_75 = arith.constant 0 : i32
        %add3A_76 = arith.addi %add3A_75, %mul3A_74 : i32
        %mul3A_77 = arith.constant 128 : i32
        %mul3A_78 = arith.muli %add3A_76, %mul3A_77 : i32
        %add3A_79 = arith.addi %mul3A_24, %mul3A_78 : i32
        "tpu.region"() ({
          %run_scoped3A = tpu.sem_alloc : memref<!tpu.dma_semaphore, #tpu.memory_space<semaphore_mem>>
          %dma_start3A = arith.constant 0 : i32
          %dma_start3A_80 = tpu.memref_slice %arg7[%add3A_79, %dma_start3A] : memref<10008x128xf32, #tpu.memory_space<vmem_shared>> -> memref<128x128xf32, #tpu.memory_space<vmem_shared>>
          %dma_start3A_81 = arith.constant 0 : i32
          %dma_start3A_82 = tpu.memref_slice %arg7[%add3A_79, %dma_start3A_81] : memref<10008x128xf32, #tpu.memory_space<vmem_shared>> -> memref<128x128xf32, #tpu.memory_space<vmem_shared>>
          tpu.enqueue_dma source(%arg10 : memref<128x128xf32, #tpu.memory_space<vmem>>) target(%dma_start3A_82 : memref<128x128xf32, #tpu.memory_space<vmem_shared>>) target_semaphore(%run_scoped3A : memref<!tpu.dma_semaphore, #tpu.memory_space<semaphore_mem>>)
          %dma_wait3A = arith.constant 0 : i32
          %dma_wait3A_83 = tpu.memref_slice %arg7[%add3A_79, %dma_wait3A] : memref<10008x128xf32, #tpu.memory_space<vmem_shared>> -> memref<128x128xf32, #tpu.memory_space<vmem_shared>>
          %dma_wait3A_84 = arith.constant 0 : i32
          %dma_wait3A_85 = tpu.memref_slice %arg7[%add3A_79, %dma_wait3A_84] : memref<10008x128xf32, #tpu.memory_space<vmem_shared>> -> memref<128x128xf32, #tpu.memory_space<vmem_shared>>
          tpu.wait_dma2 semaphore(%run_scoped3A : memref<!tpu.dma_semaphore, #tpu.memory_space<semaphore_mem>>) src(%arg10 : memref<128x128xf32, #tpu.memory_space<vmem>>) dst(%dma_wait3A_85 : memref<128x128xf32, #tpu.memory_space<vmem_shared>>)
          tpu.yield
        }) : () -> ()
      }
      %scan3A_70 = arith.constant 4 : i32
      %add3A = arith.constant 512 : i32
      %add3A_71 = arith.addi %mul3A_24, %add3A : i32
      "tpu.region"() ({
        %run_scoped3A = tpu.sem_alloc : memref<!tpu.dma_semaphore, #tpu.memory_space<semaphore_mem>>
        %dma_start3A = arith.constant 0 : i32
        %dma_start3A_72 = arith.constant 0 : i32
        %dma_start3A_73 = tpu.memref_slice %arg10[%dma_start3A, %dma_start3A_72] : memref<128x128xf32, #tpu.memory_space<vmem>> -> memref<112x128xf32, #tpu.memory_space<vmem>>
        %dma_start3A_74 = arith.constant 0 : i32
        %dma_start3A_75 = tpu.memref_slice %arg7[%add3A_71, %dma_start3A_74] : memref<10008x128xf32, #tpu.memory_space<vmem_shared>> -> memref<112x128xf32, #tpu.memory_space<vmem_shared>>
        %dma_start3A_76 = arith.constant 0 : i32
        %dma_start3A_77 = tpu.memref_slice %arg7[%add3A_71, %dma_start3A_76] : memref<10008x128xf32, #tpu.memory_space<vmem_shared>> -> memref<112x128xf32, #tpu.memory_space<vmem_shared>>
        %dma_start3A_78 = arith.constant 0 : i32
        %dma_start3A_79 = arith.constant 0 : i32
        %dma_start3A_80 = tpu.memref_slice %arg10[%dma_start3A_78, %dma_start3A_79] : memref<128x128xf32, #tpu.memory_space<vmem>> -> memref<112x128xf32, #tpu.memory_space<vmem>>
        tpu.enqueue_dma source(%dma_start3A_80 : memref<112x128xf32, #tpu.memory_space<vmem>>) target(%dma_start3A_77 : memref<112x128xf32, #tpu.memory_space<vmem_shared>>) target_semaphore(%run_scoped3A : memref<!tpu.dma_semaphore, #tpu.memory_space<semaphore_mem>>)
        %dma_wait3A = arith.constant 0 : i32
        %dma_wait3A_81 = arith.constant 0 : i32
        %dma_wait3A_82 = tpu.memref_slice %arg10[%dma_wait3A, %dma_wait3A_81] : memref<128x128xf32, #tpu.memory_space<vmem>> -> memref<112x128xf32, #tpu.memory_space<vmem>>
        %dma_wait3A_83 = arith.constant 0 : i32
        %dma_wait3A_84 = tpu.memref_slice %arg7[%add3A_71, %dma_wait3A_83] : memref<10008x128xf32, #tpu.memory_space<vmem_shared>> -> memref<112x128xf32, #tpu.memory_space<vmem_shared>>
        %dma_wait3A_85 = arith.constant 0 : i32
        %dma_wait3A_86 = tpu.memref_slice %arg7[%add3A_71, %dma_wait3A_85] : memref<10008x128xf32, #tpu.memory_space<vmem_shared>> -> memref<112x128xf32, #tpu.memory_space<vmem_shared>>
        %dma_wait3A_87 = arith.constant 0 : i32
        %dma_wait3A_88 = arith.constant 0 : i32
        %dma_wait3A_89 = tpu.memref_slice %arg10[%dma_wait3A_87, %dma_wait3A_88] : memref<128x128xf32, #tpu.memory_space<vmem>> -> memref<112x128xf32, #tpu.memory_space<vmem>>
        tpu.wait_dma2 semaphore(%run_scoped3A : memref<!tpu.dma_semaphore, #tpu.memory_space<semaphore_mem>>) src(%dma_wait3A_89 : memref<112x128xf32, #tpu.memory_space<vmem>>) dst(%dma_wait3A_86 : memref<112x128xf32, #tpu.memory_space<vmem_shared>>)
        tpu.yield
      }) : () -> ()
    } else {
    }
    %eq3A_30 = arith.constant 15 : i32
    %eq3A_31 = arith.cmpi eq, %arg1, %eq3A_30 : i32
    %convert_element_type3A_32 = arith.extui %eq3A_31 : i1 to i32
    %cond3A_33 = arith.constant 0 : i32
    %cond3A_34 = arith.cmpi ne, %convert_element_type3A_32, %cond3A_33 : i32
    scf.if %cond3A_34 {
      %scan3A_66 = arith.constant 0 : i32
      %scan3A_67 = arith.constant 5 : i32
      %scan3A_68 = arith.addi %scan3A_66, %scan3A_67 : i32
      %scan3A_69 = arith.constant 1 : i32
      scf.for %scan3A_71 = %scan3A_66 to %scan3A_68 step %scan3A_69  : i32 {
        %mul3A_72 = arith.constant 1 : i32
        %mul3A_73 = arith.muli %scan3A_71, %mul3A_72 : i32
        %add3A = arith.constant 0 : i32
        %add3A_74 = arith.addi %add3A, %mul3A_73 : i32
        %mul3A_75 = arith.constant 128 : i32
        %mul3A_76 = arith.muli %add3A_74, %mul3A_75 : i32
        %add3A_77 = arith.addi %mul3A_24, %mul3A_76 : i32
        "tpu.region"() ({
          %run_scoped3A = tpu.sem_alloc : memref<!tpu.dma_semaphore, #tpu.memory_space<semaphore_mem>>
          %dma_start3A = arith.constant 0 : i32
          %dma_start3A_78 = tpu.memref_slice %arg7[%add3A_77, %dma_start3A] : memref<10008x128xf32, #tpu.memory_space<vmem_shared>> -> memref<128x128xf32, #tpu.memory_space<vmem_shared>>
          %dma_start3A_79 = arith.constant 0 : i32
          %dma_start3A_80 = tpu.memref_slice %arg7[%add3A_77, %dma_start3A_79] : memref<10008x128xf32, #tpu.memory_space<vmem_shared>> -> memref<128x128xf32, #tpu.memory_space<vmem_shared>>
          tpu.enqueue_dma source(%arg10 : memref<128x128xf32, #tpu.memory_space<vmem>>) target(%dma_start3A_80 : memref<128x128xf32, #tpu.memory_space<vmem_shared>>) target_semaphore(%run_scoped3A : memref<!tpu.dma_semaphore, #tpu.memory_space<semaphore_mem>>)
          %dma_wait3A = arith.constant 0 : i32
          %dma_wait3A_81 = tpu.memref_slice %arg7[%add3A_77, %dma_wait3A] : memref<10008x128xf32, #tpu.memory_space<vmem_shared>> -> memref<128x128xf32, #tpu.memory_space<vmem_shared>>
          %dma_wait3A_82 = arith.constant 0 : i32
          %dma_wait3A_83 = tpu.memref_slice %arg7[%add3A_77, %dma_wait3A_82] : memref<10008x128xf32, #tpu.memory_space<vmem_shared>> -> memref<128x128xf32, #tpu.memory_space<vmem_shared>>
          tpu.wait_dma2 semaphore(%run_scoped3A : memref<!tpu.dma_semaphore, #tpu.memory_space<semaphore_mem>>) src(%arg10 : memref<128x128xf32, #tpu.memory_space<vmem>>) dst(%dma_wait3A_83 : memref<128x128xf32, #tpu.memory_space<vmem_shared>>)
          tpu.yield
        }) : () -> ()
      }
      %scan3A_70 = arith.constant 5 : i32
    } else {
    }
    %lt3A_35 = arith.constant 15 : i32
    %lt3A_36 = arith.cmpi slt, %arg1, %lt3A_35 : i32
    %convert_element_type3A_37 = arith.extui %lt3A_36 : i1 to i32
    %cond3A_38 = arith.constant 0 : i32
    %cond3A_39 = arith.cmpi ne, %convert_element_type3A_37, %cond3A_38 : i32
    scf.if %cond3A_39 {
      %dma_wait3A = tpu.memref_slice %arg3[%mul3A_2] : memref<160000xi32, #tpu.memory_space<hbm>> -> memref<10240xi32, #tpu.memory_space<hbm>>
      %dma_wait3A_66 = tpu.memref_slice %arg3[%mul3A_2] : memref<160000xi32, #tpu.memory_space<hbm>> -> memref<10240xi32, #tpu.memory_space<hbm>>
      tpu.wait_dma2 semaphore(%arg14 : memref<!tpu.dma_semaphore, #tpu.memory_space<semaphore_mem>>) src(%dma_wait3A_66 : memref<10240xi32, #tpu.memory_space<hbm>>) dst(%arg8 : memref<10240xi32, #tpu.memory_space<vmem>>)
    } else {
    }
    %eq3A_40 = arith.constant 15 : i32
    %eq3A_41 = arith.cmpi eq, %arg1, %eq3A_40 : i32
    %convert_element_type3A_42 = arith.extui %eq3A_41 : i1 to i32
    %cond3A_43 = arith.constant 0 : i32
    %cond3A_44 = arith.cmpi ne, %convert_element_type3A_42, %cond3A_43 : i32
    scf.if %cond3A_44 {
      %dma_wait3A = arith.constant 0 : i32
      %dma_wait3A_66 = tpu.memref_slice %arg8[%dma_wait3A] : memref<10240xi32, #tpu.memory_space<vmem>> -> memref<6400xi32, #tpu.memory_space<vmem>>
      %dma_wait3A_67 = tpu.memref_slice %arg3[%mul3A_2] : memref<160000xi32, #tpu.memory_space<hbm>> -> memref<6400xi32, #tpu.memory_space<hbm>>
      %dma_wait3A_68 = arith.constant 0 : i32
      %dma_wait3A_69 = tpu.memref_slice %arg8[%dma_wait3A_68] : memref<10240xi32, #tpu.memory_space<vmem>> -> memref<6400xi32, #tpu.memory_space<vmem>>
      %dma_wait3A_70 = tpu.memref_slice %arg3[%mul3A_2] : memref<160000xi32, #tpu.memory_space<hbm>> -> memref<6400xi32, #tpu.memory_space<hbm>>
      tpu.wait_dma2 semaphore(%arg14 : memref<!tpu.dma_semaphore, #tpu.memory_space<semaphore_mem>>) src(%dma_wait3A_70 : memref<6400xi32, #tpu.memory_space<hbm>>) dst(%dma_wait3A_69 : memref<6400xi32, #tpu.memory_space<vmem>>)
    } else {
    }
    %barrier3A = arith.constant 0 : index
    tpu.barrier barrier_id(%barrier3A)
    %lt3A_45 = arith.constant 15 : i32
    %lt3A_46 = arith.cmpi slt, %arg1, %lt3A_45 : i32
    %convert_element_type3A_47 = arith.extui %lt3A_46 : i1 to i32
    %cond3A_48 = arith.constant 0 : i32
    %cond3A_49 = arith.cmpi ne, %convert_element_type3A_47, %cond3A_48 : i32
    scf.if %cond3A_49 {
      %add3A = arith.constant 0 : i32
      %add3A_66 = arith.addi %mul3A_0, %add3A : i32
      %mul3A_67 = arith.constant 128 : i32
      %mul3A_68 = arith.muli %add3A_66, %mul3A_67 : i32
      %dma_start3A = tpu.memref_slice %arg4[%mul3A_68] : memref<160000xi32, #tpu.memory_space<hbm>> -> memref<128xi32, #tpu.memory_space<hbm>>
      %dma_start3A_69 = tpu.memref_slice %arg4[%mul3A_68] : memref<160000xi32, #tpu.memory_space<hbm>> -> memref<128xi32, #tpu.memory_space<hbm>>
      tpu.enqueue_dma source(%dma_start3A_69 : memref<128xi32, #tpu.memory_space<hbm>>) target(%arg12 : memref<128xi32, #tpu.memory_space<vmem>>) target_semaphore(%arg17 : memref<!tpu.dma_semaphore, #tpu.memory_space<semaphore_mem>>)
      %add3A_70 = arith.constant 1 : i32
      %add3A_71 = arith.addi %mul3A_0, %add3A_70 : i32
      %mul3A_72 = arith.constant 128 : i32
      %mul3A_73 = arith.muli %add3A_71, %mul3A_72 : i32
      %dma_start3A_74 = tpu.memref_slice %arg4[%mul3A_73] : memref<160000xi32, #tpu.memory_space<hbm>> -> memref<128xi32, #tpu.memory_space<hbm>>
      %dma_start3A_75 = tpu.memref_slice %arg4[%mul3A_73] : memref<160000xi32, #tpu.memory_space<hbm>> -> memref<128xi32, #tpu.memory_space<hbm>>
      tpu.enqueue_dma source(%dma_start3A_75 : memref<128xi32, #tpu.memory_space<hbm>>) target(%arg13 : memref<128xi32, #tpu.memory_space<vmem>>) target_semaphore(%arg18 : memref<!tpu.dma_semaphore, #tpu.memory_space<semaphore_mem>>)
      %dma_start3A_76 = arith.constant 0 : i32
      %dma_start3A_77 = tpu.memref_slice %arg8[%dma_start3A_76] : memref<10240xi32, #tpu.memory_space<vmem>> -> memref<128xi32, #tpu.memory_space<vmem>>
      %dma_start3A_78 = arith.constant 0 : i32
      %dma_start3A_79 = arith.constant 0 : i32
      %dma_start3A_80 = tpu.memref_slice %arg2[%arg0, %dma_start3A_78, %dma_start3A_79] : memref<2x10000x128xf32, #tpu.memory_space<hbm>> -> memref<1x10000x128xf32, #tpu.memory_space<hbm>>
      %dma_start3A_81 = tpu.memref_squeeze %dma_start3A_80 : memref<1x10000x128xf32, #tpu.memory_space<hbm>> -> memref<10000x128xf32, #tpu.memory_space<hbm>>
      %dma_start3A_82 = arith.constant 0 : i32
      %dma_start3A_83 = arith.constant 0 : i32
      %dma_start3A_84 = tpu.memref_slice %dma_start3A_81[%dma_start3A_82, %dma_start3A_83] : memref<10000x128xf32, #tpu.memory_space<hbm>> -> memref<10000x128xf32, #tpu.memory_space<hbm>>
      tpu.enqueue_indirect_dma source(%dma_start3A_84 : memref<10000x128xf32, #tpu.memory_space<hbm>>) target(%arg10 : memref<128x128xf32, #tpu.memory_space<vmem>>) offsets(%dma_start3A_77 : memref<128xi32, #tpu.memory_space<vmem>>) semaphore(%arg15 : memref<!tpu.dma_semaphore, #tpu.memory_space<semaphore_mem>>)
      %dma_start3A_85 = arith.constant 128 : i32
      %dma_start3A_86 = tpu.memref_slice %arg8[%dma_start3A_85] : memref<10240xi32, #tpu.memory_space<vmem>> -> memref<128xi32, #tpu.memory_space<vmem>>
      %dma_start3A_87 = arith.constant 0 : i32
      %dma_start3A_88 = arith.constant 0 : i32
      %dma_start3A_89 = tpu.memref_slice %arg2[%arg0, %dma_start3A_87, %dma_start3A_88] : memref<2x10000x128xf32, #tpu.memory_space<hbm>> -> memref<1x10000x128xf32, #tpu.memory_space<hbm>>
      %dma_start3A_90 = tpu.memref_squeeze %dma_start3A_89 : memref<1x10000x128xf32, #tpu.memory_space<hbm>> -> memref<10000x128xf32, #tpu.memory_space<hbm>>
      %dma_start3A_91 = arith.constant 0 : i32
      %dma_start3A_92 = arith.constant 0 : i32
      %dma_start3A_93 = tpu.memref_slice %dma_start3A_90[%dma_start3A_91, %dma_start3A_92] : memref<10000x128xf32, #tpu.memory_space<hbm>> -> memref<10000x128xf32, #tpu.memory_space<hbm>>
      tpu.enqueue_indirect_dma source(%dma_start3A_93 : memref<10000x128xf32, #tpu.memory_space<hbm>>) target(%arg11 : memref<128x128xf32, #tpu.memory_space<vmem>>) offsets(%dma_start3A_86 : memref<128xi32, #tpu.memory_space<vmem>>) semaphore(%arg16 : memref<!tpu.dma_semaphore, #tpu.memory_space<semaphore_mem>>)
      %scan3A_94 = arith.constant 0 : i32
      %scan3A_95 = arith.constant 39 : i32
      %scan3A_96 = arith.addi %scan3A_94, %scan3A_95 : i32
      %scan3A_97 = arith.constant 1 : i32
      scf.for %scan3A_124 = %scan3A_94 to %scan3A_96 step %scan3A_97  : i32 {
        %mul3A_125 = arith.constant 2 : i32
        %mul3A_126 = arith.muli %scan3A_124, %mul3A_125 : i32
        %add3A_127 = arith.constant 0 : i32
        %add3A_128 = arith.addi %add3A_127, %mul3A_126 : i32
        %dma_wait3A_129 = arith.constant 0 : i32
        %dma_wait3A_130 = tpu.memref_slice %arg8[%dma_wait3A_129] : memref<10240xi32, #tpu.memory_space<vmem>> -> memref<128xi32, #tpu.memory_space<vmem>>
        %dma_wait3A_131 = arith.constant 0 : i32
        %dma_wait3A_132 = arith.constant 0 : i32
        %dma_wait3A_133 = tpu.memref_slice %arg2[%arg0, %dma_wait3A_131, %dma_wait3A_132] : memref<2x10000x128xf32, #tpu.memory_space<hbm>> -> memref<1x10000x128xf32, #tpu.memory_space<hbm>>
        %dma_wait3A_134 = tpu.memref_squeeze %dma_wait3A_133 : memref<1x10000x128xf32, #tpu.memory_space<hbm>> -> memref<10000x128xf32, #tpu.memory_space<hbm>>
        %dma_wait3A_135 = arith.constant 0 : i32
        %dma_wait3A_136 = arith.constant 0 : i32
        %dma_wait3A_137 = tpu.memref_slice %dma_wait3A_134[%dma_wait3A_135, %dma_wait3A_136] : memref<10000x128xf32, #tpu.memory_space<hbm>> -> memref<10000x128xf32, #tpu.memory_space<hbm>>
        tpu.wait_indirect_dma semaphore(%arg15 : memref<!tpu.dma_semaphore, #tpu.memory_space<semaphore_mem>>) src(%dma_wait3A_137 : memref<10000x128xf32, #tpu.memory_space<hbm>>) dst(%arg10 : memref<128x128xf32, #tpu.memory_space<vmem>>)
        %dma_wait3A_138 = arith.constant 0 : i32
        %dma_wait3A_139 = tpu.memref_slice %arg4[%dma_wait3A_138] : memref<160000xi32, #tpu.memory_space<hbm>> -> memref<128xi32, #tpu.memory_space<hbm>>
        %dma_wait3A_140 = arith.constant 0 : i32
        %dma_wait3A_141 = tpu.memref_slice %arg4[%dma_wait3A_140] : memref<160000xi32, #tpu.memory_space<hbm>> -> memref<128xi32, #tpu.memory_space<hbm>>
        tpu.wait_dma2 semaphore(%arg17 : memref<!tpu.dma_semaphore, #tpu.memory_space<semaphore_mem>>) src(%dma_wait3A_141 : memref<128xi32, #tpu.memory_space<hbm>>) dst(%arg12 : memref<128xi32, #tpu.memory_space<vmem>>)
        "tpu.region"() ({
          %run_scoped3A = tpu.sem_alloc : memref<!tpu.dma_semaphore, #tpu.memory_space<semaphore_mem>>
          %dma_start3A_193 = arith.constant 0 : i32
          %dma_start3A_194 = arith.constant 0 : i32
          %dma_start3A_195 = tpu.memref_slice %arg7[%dma_start3A_193, %dma_start3A_194] : memref<10008x128xf32, #tpu.memory_space<vmem_shared>> -> memref<10008x128xf32, #tpu.memory_space<vmem_shared>>
          tpu.enqueue_indirect_dma source(%arg10 : memref<128x128xf32, #tpu.memory_space<vmem>>) target(%dma_start3A_195 : memref<10008x128xf32, #tpu.memory_space<vmem_shared>>) offsets(%arg12 : memref<128xi32, #tpu.memory_space<vmem>>) semaphore(%run_scoped3A : memref<!tpu.dma_semaphore, #tpu.memory_space<semaphore_mem>>) {add = true}
          %dma_wait3A_196 = arith.constant 0 : i32
          %dma_wait3A_197 = arith.constant 0 : i32
          %dma_wait3A_198 = tpu.memref_slice %arg7[%dma_wait3A_196, %dma_wait3A_197] : memref<10008x128xf32, #tpu.memory_space<vmem_shared>> -> memref<10008x128xf32, #tpu.memory_space<vmem_shared>>
          tpu.wait_indirect_dma semaphore(%run_scoped3A : memref<!tpu.dma_semaphore, #tpu.memory_space<semaphore_mem>>) src(%arg10 : memref<128x128xf32, #tpu.memory_space<vmem>>) dst(%dma_wait3A_198 : memref<10008x128xf32, #tpu.memory_space<vmem_shared>>)
          tpu.yield
        }) : () -> ()
        %add3A_142 = arith.constant 2 : i32
        %add3A_143 = arith.addi %add3A_128, %add3A_142 : i32
        %mul3A_144 = arith.constant 128 : i32
        %mul3A_145 = arith.muli %add3A_143, %mul3A_144 : i32
        %dma_start3A_146 = tpu.memref_slice %arg8[%mul3A_145] : memref<10240xi32, #tpu.memory_space<vmem>> -> memref<128xi32, #tpu.memory_space<vmem>>
        %dma_start3A_147 = arith.constant 0 : i32
        %dma_start3A_148 = arith.constant 0 : i32
        %dma_start3A_149 = tpu.memref_slice %arg2[%arg0, %dma_start3A_147, %dma_start3A_148] : memref<2x10000x128xf32, #tpu.memory_space<hbm>> -> memref<1x10000x128xf32, #tpu.memory_space<hbm>>
        %dma_start3A_150 = tpu.memref_squeeze %dma_start3A_149 : memref<1x10000x128xf32, #tpu.memory_space<hbm>> -> memref<10000x128xf32, #tpu.memory_space<hbm>>
        %dma_start3A_151 = arith.constant 0 : i32
        %dma_start3A_152 = arith.constant 0 : i32
        %dma_start3A_153 = tpu.memref_slice %dma_start3A_150[%dma_start3A_151, %dma_start3A_152] : memref<10000x128xf32, #tpu.memory_space<hbm>> -> memref<10000x128xf32, #tpu.memory_space<hbm>>
        tpu.enqueue_indirect_dma source(%dma_start3A_153 : memref<10000x128xf32, #tpu.memory_space<hbm>>) target(%arg10 : memref<128x128xf32, #tpu.memory_space<vmem>>) offsets(%dma_start3A_146 : memref<128xi32, #tpu.memory_space<vmem>>) semaphore(%arg15 : memref<!tpu.dma_semaphore, #tpu.memory_space<semaphore_mem>>)
        %add3A_154 = arith.constant 2 : i32
        %add3A_155 = arith.addi %add3A_128, %add3A_154 : i32
        %add3A_156 = arith.addi %mul3A_0, %add3A_155 : i32
        %mul3A_157 = arith.constant 128 : i32
        %mul3A_158 = arith.muli %add3A_156, %mul3A_157 : i32
        %dma_start3A_159 = tpu.memref_slice %arg4[%mul3A_158] : memref<160000xi32, #tpu.memory_space<hbm>> -> memref<128xi32, #tpu.memory_space<hbm>>
        %dma_start3A_160 = tpu.memref_slice %arg4[%mul3A_158] : memref<160000xi32, #tpu.memory_space<hbm>> -> memref<128xi32, #tpu.memory_space<hbm>>
        tpu.enqueue_dma source(%dma_start3A_160 : memref<128xi32, #tpu.memory_space<hbm>>) target(%arg12 : memref<128xi32, #tpu.memory_space<vmem>>) target_semaphore(%arg17 : memref<!tpu.dma_semaphore, #tpu.memory_space<semaphore_mem>>)
        %dma_wait3A_161 = arith.constant 0 : i32
        %dma_wait3A_162 = tpu.memref_slice %arg8[%dma_wait3A_161] : memref<10240xi32, #tpu.memory_space<vmem>> -> memref<128xi32, #tpu.memory_space<vmem>>
        %dma_wait3A_163 = arith.constant 0 : i32
        %dma_wait3A_164 = arith.constant 0 : i32
        %dma_wait3A_165 = tpu.memref_slice %arg2[%arg0, %dma_wait3A_163, %dma_wait3A_164] : memref<2x10000x128xf32, #tpu.memory_space<hbm>> -> memref<1x10000x128xf32, #tpu.memory_space<hbm>>
        %dma_wait3A_166 = tpu.memref_squeeze %dma_wait3A_165 : memref<1x10000x128xf32, #tpu.memory_space<hbm>> -> memref<10000x128xf32, #tpu.memory_space<hbm>>
        %dma_wait3A_167 = arith.constant 0 : i32
        %dma_wait3A_168 = arith.constant 0 : i32
        %dma_wait3A_169 = tpu.memref_slice %dma_wait3A_166[%dma_wait3A_167, %dma_wait3A_168] : memref<10000x128xf32, #tpu.memory_space<hbm>> -> memref<10000x128xf32, #tpu.memory_space<hbm>>
        tpu.wait_indirect_dma semaphore(%arg16 : memref<!tpu.dma_semaphore, #tpu.memory_space<semaphore_mem>>) src(%dma_wait3A_169 : memref<10000x128xf32, #tpu.memory_space<hbm>>) dst(%arg11 : memref<128x128xf32, #tpu.memory_space<vmem>>)
        %dma_wait3A_170 = arith.constant 0 : i32
        %dma_wait3A_171 = tpu.memref_slice %arg4[%dma_wait3A_170] : memref<160000xi32, #tpu.memory_space<hbm>> -> memref<128xi32, #tpu.memory_space<hbm>>
        %dma_wait3A_172 = arith.constant 0 : i32
        %dma_wait3A_173 = tpu.memref_slice %arg4[%dma_wait3A_172] : memref<160000xi32, #tpu.memory_space<hbm>> -> memref<128xi32, #tpu.memory_space<hbm>>
        tpu.wait_dma2 semaphore(%arg18 : memref<!tpu.dma_semaphore, #tpu.memory_space<semaphore_mem>>) src(%dma_wait3A_173 : memref<128xi32, #tpu.memory_space<hbm>>) dst(%arg13 : memref<128xi32, #tpu.memory_space<vmem>>)
        "tpu.region"() ({
          %run_scoped3A = tpu.sem_alloc : memref<!tpu.dma_semaphore, #tpu.memory_space<semaphore_mem>>
          %dma_start3A_193 = arith.constant 0 : i32
          %dma_start3A_194 = arith.constant 0 : i32
          %dma_start3A_195 = tpu.memref_slice %arg7[%dma_start3A_193, %dma_start3A_194] : memref<10008x128xf32, #tpu.memory_space<vmem_shared>> -> memref<10008x128xf32, #tpu.memory_space<vmem_shared>>
          tpu.enqueue_indirect_dma source(%arg11 : memref<128x128xf32, #tpu.memory_space<vmem>>) target(%dma_start3A_195 : memref<10008x128xf32, #tpu.memory_space<vmem_shared>>) offsets(%arg13 : memref<128xi32, #tpu.memory_space<vmem>>) semaphore(%run_scoped3A : memref<!tpu.dma_semaphore, #tpu.memory_space<semaphore_mem>>) {add = true}
          %dma_wait3A_196 = arith.constant 0 : i32
          %dma_wait3A_197 = arith.constant 0 : i32
          %dma_wait3A_198 = tpu.memref_slice %arg7[%dma_wait3A_196, %dma_wait3A_197] : memref<10008x128xf32, #tpu.memory_space<vmem_shared>> -> memref<10008x128xf32, #tpu.memory_space<vmem_shared>>
          tpu.wait_indirect_dma semaphore(%run_scoped3A : memref<!tpu.dma_semaphore, #tpu.memory_space<semaphore_mem>>) src(%arg11 : memref<128x128xf32, #tpu.memory_space<vmem>>) dst(%dma_wait3A_198 : memref<10008x128xf32, #tpu.memory_space<vmem_shared>>)
          tpu.yield
        }) : () -> ()
        %add3A_174 = arith.constant 3 : i32
        %add3A_175 = arith.addi %add3A_128, %add3A_174 : i32
        %mul3A_176 = arith.constant 128 : i32
        %mul3A_177 = arith.muli %add3A_175, %mul3A_176 : i32
        %dma_start3A_178 = tpu.memref_slice %arg8[%mul3A_177] : memref<10240xi32, #tpu.memory_space<vmem>> -> memref<128xi32, #tpu.memory_space<vmem>>
        %dma_start3A_179 = arith.constant 0 : i32
        %dma_start3A_180 = arith.constant 0 : i32
        %dma_start3A_181 = tpu.memref_slice %arg2[%arg0, %dma_start3A_179, %dma_start3A_180] : memref<2x10000x128xf32, #tpu.memory_space<hbm>> -> memref<1x10000x128xf32, #tpu.memory_space<hbm>>
        %dma_start3A_182 = tpu.memref_squeeze %dma_start3A_181 : memref<1x10000x128xf32, #tpu.memory_space<hbm>> -> memref<10000x128xf32, #tpu.memory_space<hbm>>
        %dma_start3A_183 = arith.constant 0 : i32
        %dma_start3A_184 = arith.constant 0 : i32
        %dma_start3A_185 = tpu.memref_slice %dma_start3A_182[%dma_start3A_183, %dma_start3A_184] : memref<10000x128xf32, #tpu.memory_space<hbm>> -> memref<10000x128xf32, #tpu.memory_space<hbm>>
        tpu.enqueue_indirect_dma source(%dma_start3A_185 : memref<10000x128xf32, #tpu.memory_space<hbm>>) target(%arg11 : memref<128x128xf32, #tpu.memory_space<vmem>>) offsets(%dma_start3A_178 : memref<128xi32, #tpu.memory_space<vmem>>) semaphore(%arg16 : memref<!tpu.dma_semaphore, #tpu.memory_space<semaphore_mem>>)
        %add3A_186 = arith.constant 3 : i32
        %add3A_187 = arith.addi %add3A_128, %add3A_186 : i32
        %add3A_188 = arith.addi %mul3A_0, %add3A_187 : i32
        %mul3A_189 = arith.constant 128 : i32
        %mul3A_190 = arith.muli %add3A_188, %mul3A_189 : i32
        %dma_start3A_191 = tpu.memref_slice %arg4[%mul3A_190] : memref<160000xi32, #tpu.memory_space<hbm>> -> memref<128xi32, #tpu.memory_space<hbm>>
        %dma_start3A_192 = tpu.memref_slice %arg4[%mul3A_190] : memref<160000xi32, #tpu.memory_space<hbm>> -> memref<128xi32, #tpu.memory_space<hbm>>
        tpu.enqueue_dma source(%dma_start3A_192 : memref<128xi32, #tpu.memory_space<hbm>>) target(%arg13 : memref<128xi32, #tpu.memory_space<vmem>>) target_semaphore(%arg18 : memref<!tpu.dma_semaphore, #tpu.memory_space<semaphore_mem>>)
      }
      %scan3A_98 = arith.constant 39 : i32
      %dma_wait3A = arith.constant 0 : i32
      %dma_wait3A_99 = tpu.memref_slice %arg8[%dma_wait3A] : memref<10240xi32, #tpu.memory_space<vmem>> -> memref<128xi32, #tpu.memory_space<vmem>>
      %dma_wait3A_100 = arith.constant 0 : i32
      %dma_wait3A_101 = arith.constant 0 : i32
      %dma_wait3A_102 = tpu.memref_slice %arg2[%arg0, %dma_wait3A_100, %dma_wait3A_101] : memref<2x10000x128xf32, #tpu.memory_space<hbm>> -> memref<1x10000x128xf32, #tpu.memory_space<hbm>>
      %dma_wait3A_103 = tpu.memref_squeeze %dma_wait3A_102 : memref<1x10000x128xf32, #tpu.memory_space<hbm>> -> memref<10000x128xf32, #tpu.memory_space<hbm>>
      %dma_wait3A_104 = arith.constant 0 : i32
      %dma_wait3A_105 = arith.constant 0 : i32
      %dma_wait3A_106 = tpu.memref_slice %dma_wait3A_103[%dma_wait3A_104, %dma_wait3A_105] : memref<10000x128xf32, #tpu.memory_space<hbm>> -> memref<10000x128xf32, #tpu.memory_space<hbm>>
      tpu.wait_indirect_dma semaphore(%arg15 : memref<!tpu.dma_semaphore, #tpu.memory_space<semaphore_mem>>) src(%dma_wait3A_106 : memref<10000x128xf32, #tpu.memory_space<hbm>>) dst(%arg10 : memref<128x128xf32, #tpu.memory_space<vmem>>)
      %dma_wait3A_107 = arith.constant 0 : i32
      %dma_wait3A_108 = tpu.memref_slice %arg4[%dma_wait3A_107] : memref<160000xi32, #tpu.memory_space<hbm>> -> memref<128xi32, #tpu.memory_space<hbm>>
      %dma_wait3A_109 = arith.constant 0 : i32
      %dma_wait3A_110 = tpu.memref_slice %arg4[%dma_wait3A_109] : memref<160000xi32, #tpu.memory_space<hbm>> -> memref<128xi32, #tpu.memory_space<hbm>>
      tpu.wait_dma2 semaphore(%arg17 : memref<!tpu.dma_semaphore, #tpu.memory_space<semaphore_mem>>) src(%dma_wait3A_110 : memref<128xi32, #tpu.memory_space<hbm>>) dst(%arg12 : memref<128xi32, #tpu.memory_space<vmem>>)
      "tpu.region"() ({
        %run_scoped3A = tpu.sem_alloc : memref<!tpu.dma_semaphore, #tpu.memory_space<semaphore_mem>>
        %dma_start3A_124 = arith.constant 0 : i32
        %dma_start3A_125 = arith.constant 0 : i32
        %dma_start3A_126 = tpu.memref_slice %arg7[%dma_start3A_124, %dma_start3A_125] : memref<10008x128xf32, #tpu.memory_space<vmem_shared>> -> memref<10008x128xf32, #tpu.memory_space<vmem_shared>>
        tpu.enqueue_indirect_dma source(%arg10 : memref<128x128xf32, #tpu.memory_space<vmem>>) target(%dma_start3A_126 : memref<10008x128xf32, #tpu.memory_space<vmem_shared>>) offsets(%arg12 : memref<128xi32, #tpu.memory_space<vmem>>) semaphore(%run_scoped3A : memref<!tpu.dma_semaphore, #tpu.memory_space<semaphore_mem>>) {add = true}
        %dma_wait3A_127 = arith.constant 0 : i32
        %dma_wait3A_128 = arith.constant 0 : i32
        %dma_wait3A_129 = tpu.memref_slice %arg7[%dma_wait3A_127, %dma_wait3A_128] : memref<10008x128xf32, #tpu.memory_space<vmem_shared>> -> memref<10008x128xf32, #tpu.memory_space<vmem_shared>>
        tpu.wait_indirect_dma semaphore(%run_scoped3A : memref<!tpu.dma_semaphore, #tpu.memory_space<semaphore_mem>>) src(%arg10 : memref<128x128xf32, #tpu.memory_space<vmem>>) dst(%dma_wait3A_129 : memref<10008x128xf32, #tpu.memory_space<vmem_shared>>)
        tpu.yield
      }) : () -> ()
      %dma_wait3A_111 = arith.constant 0 : i32
      %dma_wait3A_112 = tpu.memref_slice %arg8[%dma_wait3A_111] : memref<10240xi32, #tpu.memory_space<vmem>> -> memref<128xi32, #tpu.memory_space<vmem>>
      %dma_wait3A_113 = arith.constant 0 : i32
      %dma_wait3A_114 = arith.constant 0 : i32
      %dma_wait3A_115 = tpu.memref_slice %arg2[%arg0, %dma_wait3A_113, %dma_wait3A_114] : memref<2x10000x128xf32, #tpu.memory_space<hbm>> -> memref<1x10000x128xf32, #tpu.memory_space<hbm>>
      %dma_wait3A_116 = tpu.memref_squeeze %dma_wait3A_115 : memref<1x10000x128xf32, #tpu.memory_space<hbm>> -> memref<10000x128xf32, #tpu.memory_space<hbm>>
      %dma_wait3A_117 = arith.constant 0 : i32
      %dma_wait3A_118 = arith.constant 0 : i32
      %dma_wait3A_119 = tpu.memref_slice %dma_wait3A_116[%dma_wait3A_117, %dma_wait3A_118] : memref<10000x128xf32, #tpu.memory_space<hbm>> -> memref<10000x128xf32, #tpu.memory_space<hbm>>
      tpu.wait_indirect_dma semaphore(%arg16 : memref<!tpu.dma_semaphore, #tpu.memory_space<semaphore_mem>>) src(%dma_wait3A_119 : memref<10000x128xf32, #tpu.memory_space<hbm>>) dst(%arg11 : memref<128x128xf32, #tpu.memory_space<vmem>>)
      %dma_wait3A_120 = arith.constant 0 : i32
      %dma_wait3A_121 = tpu.memref_slice %arg4[%dma_wait3A_120] : memref<160000xi32, #tpu.memory_space<hbm>> -> memref<128xi32, #tpu.memory_space<hbm>>
      %dma_wait3A_122 = arith.constant 0 : i32
      %dma_wait3A_123 = tpu.memref_slice %arg4[%dma_wait3A_122] : memref<160000xi32, #tpu.memory_space<hbm>> -> memref<128xi32, #tpu.memory_space<hbm>>
      tpu.wait_dma2 semaphore(%arg18 : memref<!tpu.dma_semaphore, #tpu.memory_space<semaphore_mem>>) src(%dma_wait3A_123 : memref<128xi32, #tpu.memory_space<hbm>>) dst(%arg13 : memref<128xi32, #tpu.memory_space<vmem>>)
      "tpu.region"() ({
        %run_scoped3A = tpu.sem_alloc : memref<!tpu.dma_semaphore, #tpu.memory_space<semaphore_mem>>
        %dma_start3A_124 = arith.constant 0 : i32
        %dma_start3A_125 = arith.constant 0 : i32
        %dma_start3A_126 = tpu.memref_slice %arg7[%dma_start3A_124, %dma_start3A_125] : memref<10008x128xf32, #tpu.memory_space<vmem_shared>> -> memref<10008x128xf32, #tpu.memory_space<vmem_shared>>
        tpu.enqueue_indirect_dma source(%arg11 : memref<128x128xf32, #tpu.memory_space<vmem>>) target(%dma_start3A_126 : memref<10008x128xf32, #tpu.memory_space<vmem_shared>>) offsets(%arg13 : memref<128xi32, #tpu.memory_space<vmem>>) semaphore(%run_scoped3A : memref<!tpu.dma_semaphore, #tpu.memory_space<semaphore_mem>>) {add = true}
        %dma_wait3A_127 = arith.constant 0 : i32
        %dma_wait3A_128 = arith.constant 0 : i32
        %dma_wait3A_129 = tpu.memref_slice %arg7[%dma_wait3A_127, %dma_wait3A_128] : memref<10008x128xf32, #tpu.memory_space<vmem_shared>> -> memref<10008x128xf32, #tpu.memory_space<vmem_shared>>
        tpu.wait_indirect_dma semaphore(%run_scoped3A : memref<!tpu.dma_semaphore, #tpu.memory_space<semaphore_mem>>) src(%arg11 : memref<128x128xf32, #tpu.memory_space<vmem>>) dst(%dma_wait3A_129 : memref<10008x128xf32, #tpu.memory_space<vmem_shared>>)
        tpu.yield
      }) : () -> ()
    } else {
    }
    %eq3A_50 = arith.constant 15 : i32
    %eq3A_51 = arith.cmpi eq, %arg1, %eq3A_50 : i32
    %convert_element_type3A_52 = arith.extui %eq3A_51 : i1 to i32
    %cond3A_53 = arith.constant 0 : i32
    %cond3A_54 = arith.cmpi ne, %convert_element_type3A_52, %cond3A_53 : i32
    scf.if %cond3A_54 {
      %add3A = arith.constant 0 : i32
      %add3A_66 = arith.addi %mul3A_0, %add3A : i32
      %mul3A_67 = arith.constant 128 : i32
      %mul3A_68 = arith.muli %add3A_66, %mul3A_67 : i32
      %dma_start3A = tpu.memref_slice %arg4[%mul3A_68] : memref<160000xi32, #tpu.memory_space<hbm>> -> memref<128xi32, #tpu.memory_space<hbm>>
      %dma_start3A_69 = tpu.memref_slice %arg4[%mul3A_68] : memref<160000xi32, #tpu.memory_space<hbm>> -> memref<128xi32, #tpu.memory_space<hbm>>
      tpu.enqueue_dma source(%dma_start3A_69 : memref<128xi32, #tpu.memory_space<hbm>>) target(%arg12 : memref<128xi32, #tpu.memory_space<vmem>>) target_semaphore(%arg17 : memref<!tpu.dma_semaphore, #tpu.memory_space<semaphore_mem>>)
      %add3A_70 = arith.constant 1 : i32
      %add3A_71 = arith.addi %mul3A_0, %add3A_70 : i32
      %mul3A_72 = arith.constant 128 : i32
      %mul3A_73 = arith.muli %add3A_71, %mul3A_72 : i32
      %dma_start3A_74 = tpu.memref_slice %arg4[%mul3A_73] : memref<160000xi32, #tpu.memory_space<hbm>> -> memref<128xi32, #tpu.memory_space<hbm>>
      %dma_start3A_75 = tpu.memref_slice %arg4[%mul3A_73] : memref<160000xi32, #tpu.memory_space<hbm>> -> memref<128xi32, #tpu.memory_space<hbm>>
      tpu.enqueue_dma source(%dma_start3A_75 : memref<128xi32, #tpu.memory_space<hbm>>) target(%arg13 : memref<128xi32, #tpu.memory_space<vmem>>) target_semaphore(%arg18 : memref<!tpu.dma_semaphore, #tpu.memory_space<semaphore_mem>>)
      %dma_start3A_76 = arith.constant 0 : i32
      %dma_start3A_77 = tpu.memref_slice %arg8[%dma_start3A_76] : memref<10240xi32, #tpu.memory_space<vmem>> -> memref<128xi32, #tpu.memory_space<vmem>>
      %dma_start3A_78 = arith.constant 0 : i32
      %dma_start3A_79 = arith.constant 0 : i32
      %dma_start3A_80 = tpu.memref_slice %arg2[%arg0, %dma_start3A_78, %dma_start3A_79] : memref<2x10000x128xf32, #tpu.memory_space<hbm>> -> memref<1x10000x128xf32, #tpu.memory_space<hbm>>
      %dma_start3A_81 = tpu.memref_squeeze %dma_start3A_80 : memref<1x10000x128xf32, #tpu.memory_space<hbm>> -> memref<10000x128xf32, #tpu.memory_space<hbm>>
      %dma_start3A_82 = arith.constant 0 : i32
      %dma_start3A_83 = arith.constant 0 : i32
      %dma_start3A_84 = tpu.memref_slice %dma_start3A_81[%dma_start3A_82, %dma_start3A_83] : memref<10000x128xf32, #tpu.memory_space<hbm>> -> memref<10000x128xf32, #tpu.memory_space<hbm>>
      tpu.enqueue_indirect_dma source(%dma_start3A_84 : memref<10000x128xf32, #tpu.memory_space<hbm>>) target(%arg10 : memref<128x128xf32, #tpu.memory_space<vmem>>) offsets(%dma_start3A_77 : memref<128xi32, #tpu.memory_space<vmem>>) semaphore(%arg15 : memref<!tpu.dma_semaphore, #tpu.memory_space<semaphore_mem>>)
      %dma_start3A_85 = arith.constant 128 : i32
      %dma_start3A_86 = tpu.memref_slice %arg8[%dma_start3A_85] : memref<10240xi32, #tpu.memory_space<vmem>> -> memref<128xi32, #tpu.memory_space<vmem>>
      %dma_start3A_87 = arith.constant 0 : i32
      %dma_start3A_88 = arith.constant 0 : i32
      %dma_start3A_89 = tpu.memref_slice %arg2[%arg0, %dma_start3A_87, %dma_start3A_88] : memref<2x10000x128xf32, #tpu.memory_space<hbm>> -> memref<1x10000x128xf32, #tpu.memory_space<hbm>>
      %dma_start3A_90 = tpu.memref_squeeze %dma_start3A_89 : memref<1x10000x128xf32, #tpu.memory_space<hbm>> -> memref<10000x128xf32, #tpu.memory_space<hbm>>
      %dma_start3A_91 = arith.constant 0 : i32
      %dma_start3A_92 = arith.constant 0 : i32
      %dma_start3A_93 = tpu.memref_slice %dma_start3A_90[%dma_start3A_91, %dma_start3A_92] : memref<10000x128xf32, #tpu.memory_space<hbm>> -> memref<10000x128xf32, #tpu.memory_space<hbm>>
      tpu.enqueue_indirect_dma source(%dma_start3A_93 : memref<10000x128xf32, #tpu.memory_space<hbm>>) target(%arg11 : memref<128x128xf32, #tpu.memory_space<vmem>>) offsets(%dma_start3A_86 : memref<128xi32, #tpu.memory_space<vmem>>) semaphore(%arg16 : memref<!tpu.dma_semaphore, #tpu.memory_space<semaphore_mem>>)
      %scan3A_94 = arith.constant 0 : i32
      %scan3A_95 = arith.constant 24 : i32
      %scan3A_96 = arith.addi %scan3A_94, %scan3A_95 : i32
      %scan3A_97 = arith.constant 1 : i32
      scf.for %scan3A_124 = %scan3A_94 to %scan3A_96 step %scan3A_97  : i32 {
        %mul3A_125 = arith.constant 2 : i32
        %mul3A_126 = arith.muli %scan3A_124, %mul3A_125 : i32
        %add3A_127 = arith.constant 0 : i32
        %add3A_128 = arith.addi %add3A_127, %mul3A_126 : i32
        %dma_wait3A_129 = arith.constant 0 : i32
        %dma_wait3A_130 = tpu.memref_slice %arg8[%dma_wait3A_129] : memref<10240xi32, #tpu.memory_space<vmem>> -> memref<128xi32, #tpu.memory_space<vmem>>
        %dma_wait3A_131 = arith.constant 0 : i32
        %dma_wait3A_132 = arith.constant 0 : i32
        %dma_wait3A_133 = tpu.memref_slice %arg2[%arg0, %dma_wait3A_131, %dma_wait3A_132] : memref<2x10000x128xf32, #tpu.memory_space<hbm>> -> memref<1x10000x128xf32, #tpu.memory_space<hbm>>
        %dma_wait3A_134 = tpu.memref_squeeze %dma_wait3A_133 : memref<1x10000x128xf32, #tpu.memory_space<hbm>> -> memref<10000x128xf32, #tpu.memory_space<hbm>>
        %dma_wait3A_135 = arith.constant 0 : i32
        %dma_wait3A_136 = arith.constant 0 : i32
        %dma_wait3A_137 = tpu.memref_slice %dma_wait3A_134[%dma_wait3A_135, %dma_wait3A_136] : memref<10000x128xf32, #tpu.memory_space<hbm>> -> memref<10000x128xf32, #tpu.memory_space<hbm>>
        tpu.wait_indirect_dma semaphore(%arg15 : memref<!tpu.dma_semaphore, #tpu.memory_space<semaphore_mem>>) src(%dma_wait3A_137 : memref<10000x128xf32, #tpu.memory_space<hbm>>) dst(%arg10 : memref<128x128xf32, #tpu.memory_space<vmem>>)
        %dma_wait3A_138 = arith.constant 0 : i32
        %dma_wait3A_139 = tpu.memref_slice %arg4[%dma_wait3A_138] : memref<160000xi32, #tpu.memory_space<hbm>> -> memref<128xi32, #tpu.memory_space<hbm>>
        %dma_wait3A_140 = arith.constant 0 : i32
        %dma_wait3A_141 = tpu.memref_slice %arg4[%dma_wait3A_140] : memref<160000xi32, #tpu.memory_space<hbm>> -> memref<128xi32, #tpu.memory_space<hbm>>
        tpu.wait_dma2 semaphore(%arg17 : memref<!tpu.dma_semaphore, #tpu.memory_space<semaphore_mem>>) src(%dma_wait3A_141 : memref<128xi32, #tpu.memory_space<hbm>>) dst(%arg12 : memref<128xi32, #tpu.memory_space<vmem>>)
        "tpu.region"() ({
          %run_scoped3A = tpu.sem_alloc : memref<!tpu.dma_semaphore, #tpu.memory_space<semaphore_mem>>
          %dma_start3A_193 = arith.constant 0 : i32
          %dma_start3A_194 = arith.constant 0 : i32
          %dma_start3A_195 = tpu.memref_slice %arg7[%dma_start3A_193, %dma_start3A_194] : memref<10008x128xf32, #tpu.memory_space<vmem_shared>> -> memref<10008x128xf32, #tpu.memory_space<vmem_shared>>
          tpu.enqueue_indirect_dma source(%arg10 : memref<128x128xf32, #tpu.memory_space<vmem>>) target(%dma_start3A_195 : memref<10008x128xf32, #tpu.memory_space<vmem_shared>>) offsets(%arg12 : memref<128xi32, #tpu.memory_space<vmem>>) semaphore(%run_scoped3A : memref<!tpu.dma_semaphore, #tpu.memory_space<semaphore_mem>>) {add = true}
          %dma_wait3A_196 = arith.constant 0 : i32
          %dma_wait3A_197 = arith.constant 0 : i32
          %dma_wait3A_198 = tpu.memref_slice %arg7[%dma_wait3A_196, %dma_wait3A_197] : memref<10008x128xf32, #tpu.memory_space<vmem_shared>> -> memref<10008x128xf32, #tpu.memory_space<vmem_shared>>
          tpu.wait_indirect_dma semaphore(%run_scoped3A : memref<!tpu.dma_semaphore, #tpu.memory_space<semaphore_mem>>) src(%arg10 : memref<128x128xf32, #tpu.memory_space<vmem>>) dst(%dma_wait3A_198 : memref<10008x128xf32, #tpu.memory_space<vmem_shared>>)
          tpu.yield
        }) : () -> ()
        %add3A_142 = arith.constant 2 : i32
        %add3A_143 = arith.addi %add3A_128, %add3A_142 : i32
        %mul3A_144 = arith.constant 128 : i32
        %mul3A_145 = arith.muli %add3A_143, %mul3A_144 : i32
        %dma_start3A_146 = tpu.memref_slice %arg8[%mul3A_145] : memref<10240xi32, #tpu.memory_space<vmem>> -> memref<128xi32, #tpu.memory_space<vmem>>
        %dma_start3A_147 = arith.constant 0 : i32
        %dma_start3A_148 = arith.constant 0 : i32
        %dma_start3A_149 = tpu.memref_slice %arg2[%arg0, %dma_start3A_147, %dma_start3A_148] : memref<2x10000x128xf32, #tpu.memory_space<hbm>> -> memref<1x10000x128xf32, #tpu.memory_space<hbm>>
        %dma_start3A_150 = tpu.memref_squeeze %dma_start3A_149 : memref<1x10000x128xf32, #tpu.memory_space<hbm>> -> memref<10000x128xf32, #tpu.memory_space<hbm>>
        %dma_start3A_151 = arith.constant 0 : i32
        %dma_start3A_152 = arith.constant 0 : i32
        %dma_start3A_153 = tpu.memref_slice %dma_start3A_150[%dma_start3A_151, %dma_start3A_152] : memref<10000x128xf32, #tpu.memory_space<hbm>> -> memref<10000x128xf32, #tpu.memory_space<hbm>>
        tpu.enqueue_indirect_dma source(%dma_start3A_153 : memref<10000x128xf32, #tpu.memory_space<hbm>>) target(%arg10 : memref<128x128xf32, #tpu.memory_space<vmem>>) offsets(%dma_start3A_146 : memref<128xi32, #tpu.memory_space<vmem>>) semaphore(%arg15 : memref<!tpu.dma_semaphore, #tpu.memory_space<semaphore_mem>>)
        %add3A_154 = arith.constant 2 : i32
        %add3A_155 = arith.addi %add3A_128, %add3A_154 : i32
        %add3A_156 = arith.addi %mul3A_0, %add3A_155 : i32
        %mul3A_157 = arith.constant 128 : i32
        %mul3A_158 = arith.muli %add3A_156, %mul3A_157 : i32
        %dma_start3A_159 = tpu.memref_slice %arg4[%mul3A_158] : memref<160000xi32, #tpu.memory_space<hbm>> -> memref<128xi32, #tpu.memory_space<hbm>>
        %dma_start3A_160 = tpu.memref_slice %arg4[%mul3A_158] : memref<160000xi32, #tpu.memory_space<hbm>> -> memref<128xi32, #tpu.memory_space<hbm>>
        tpu.enqueue_dma source(%dma_start3A_160 : memref<128xi32, #tpu.memory_space<hbm>>) target(%arg12 : memref<128xi32, #tpu.memory_space<vmem>>) target_semaphore(%arg17 : memref<!tpu.dma_semaphore, #tpu.memory_space<semaphore_mem>>)
        %dma_wait3A_161 = arith.constant 0 : i32
        %dma_wait3A_162 = tpu.memref_slice %arg8[%dma_wait3A_161] : memref<10240xi32, #tpu.memory_space<vmem>> -> memref<128xi32, #tpu.memory_space<vmem>>
        %dma_wait3A_163 = arith.constant 0 : i32
        %dma_wait3A_164 = arith.constant 0 : i32
        %dma_wait3A_165 = tpu.memref_slice %arg2[%arg0, %dma_wait3A_163, %dma_wait3A_164] : memref<2x10000x128xf32, #tpu.memory_space<hbm>> -> memref<1x10000x128xf32, #tpu.memory_space<hbm>>
        %dma_wait3A_166 = tpu.memref_squeeze %dma_wait3A_165 : memref<1x10000x128xf32, #tpu.memory_space<hbm>> -> memref<10000x128xf32, #tpu.memory_space<hbm>>
        %dma_wait3A_167 = arith.constant 0 : i32
        %dma_wait3A_168 = arith.constant 0 : i32
        %dma_wait3A_169 = tpu.memref_slice %dma_wait3A_166[%dma_wait3A_167, %dma_wait3A_168] : memref<10000x128xf32, #tpu.memory_space<hbm>> -> memref<10000x128xf32, #tpu.memory_space<hbm>>
        tpu.wait_indirect_dma semaphore(%arg16 : memref<!tpu.dma_semaphore, #tpu.memory_space<semaphore_mem>>) src(%dma_wait3A_169 : memref<10000x128xf32, #tpu.memory_space<hbm>>) dst(%arg11 : memref<128x128xf32, #tpu.memory_space<vmem>>)
        %dma_wait3A_170 = arith.constant 0 : i32
        %dma_wait3A_171 = tpu.memref_slice %arg4[%dma_wait3A_170] : memref<160000xi32, #tpu.memory_space<hbm>> -> memref<128xi32, #tpu.memory_space<hbm>>
        %dma_wait3A_172 = arith.constant 0 : i32
        %dma_wait3A_173 = tpu.memref_slice %arg4[%dma_wait3A_172] : memref<160000xi32, #tpu.memory_space<hbm>> -> memref<128xi32, #tpu.memory_space<hbm>>
        tpu.wait_dma2 semaphore(%arg18 : memref<!tpu.dma_semaphore, #tpu.memory_space<semaphore_mem>>) src(%dma_wait3A_173 : memref<128xi32, #tpu.memory_space<hbm>>) dst(%arg13 : memref<128xi32, #tpu.memory_space<vmem>>)
        "tpu.region"() ({
          %run_scoped3A = tpu.sem_alloc : memref<!tpu.dma_semaphore, #tpu.memory_space<semaphore_mem>>
          %dma_start3A_193 = arith.constant 0 : i32
          %dma_start3A_194 = arith.constant 0 : i32
          %dma_start3A_195 = tpu.memref_slice %arg7[%dma_start3A_193, %dma_start3A_194] : memref<10008x128xf32, #tpu.memory_space<vmem_shared>> -> memref<10008x128xf32, #tpu.memory_space<vmem_shared>>
          tpu.enqueue_indirect_dma source(%arg11 : memref<128x128xf32, #tpu.memory_space<vmem>>) target(%dma_start3A_195 : memref<10008x128xf32, #tpu.memory_space<vmem_shared>>) offsets(%arg13 : memref<128xi32, #tpu.memory_space<vmem>>) semaphore(%run_scoped3A : memref<!tpu.dma_semaphore, #tpu.memory_space<semaphore_mem>>) {add = true}
          %dma_wait3A_196 = arith.constant 0 : i32
          %dma_wait3A_197 = arith.constant 0 : i32
          %dma_wait3A_198 = tpu.memref_slice %arg7[%dma_wait3A_196, %dma_wait3A_197] : memref<10008x128xf32, #tpu.memory_space<vmem_shared>> -> memref<10008x128xf32, #tpu.memory_space<vmem_shared>>
          tpu.wait_indirect_dma semaphore(%run_scoped3A : memref<!tpu.dma_semaphore, #tpu.memory_space<semaphore_mem>>) src(%arg11 : memref<128x128xf32, #tpu.memory_space<vmem>>) dst(%dma_wait3A_198 : memref<10008x128xf32, #tpu.memory_space<vmem_shared>>)
          tpu.yield
        }) : () -> ()
        %add3A_174 = arith.constant 3 : i32
        %add3A_175 = arith.addi %add3A_128, %add3A_174 : i32
        %mul3A_176 = arith.constant 128 : i32
        %mul3A_177 = arith.muli %add3A_175, %mul3A_176 : i32
        %dma_start3A_178 = tpu.memref_slice %arg8[%mul3A_177] : memref<10240xi32, #tpu.memory_space<vmem>> -> memref<128xi32, #tpu.memory_space<vmem>>
        %dma_start3A_179 = arith.constant 0 : i32
        %dma_start3A_180 = arith.constant 0 : i32
        %dma_start3A_181 = tpu.memref_slice %arg2[%arg0, %dma_start3A_179, %dma_start3A_180] : memref<2x10000x128xf32, #tpu.memory_space<hbm>> -> memref<1x10000x128xf32, #tpu.memory_space<hbm>>
        %dma_start3A_182 = tpu.memref_squeeze %dma_start3A_181 : memref<1x10000x128xf32, #tpu.memory_space<hbm>> -> memref<10000x128xf32, #tpu.memory_space<hbm>>
        %dma_start3A_183 = arith.constant 0 : i32
        %dma_start3A_184 = arith.constant 0 : i32
        %dma_start3A_185 = tpu.memref_slice %dma_start3A_182[%dma_start3A_183, %dma_start3A_184] : memref<10000x128xf32, #tpu.memory_space<hbm>> -> memref<10000x128xf32, #tpu.memory_space<hbm>>
        tpu.enqueue_indirect_dma source(%dma_start3A_185 : memref<10000x128xf32, #tpu.memory_space<hbm>>) target(%arg11 : memref<128x128xf32, #tpu.memory_space<vmem>>) offsets(%dma_start3A_178 : memref<128xi32, #tpu.memory_space<vmem>>) semaphore(%arg16 : memref<!tpu.dma_semaphore, #tpu.memory_space<semaphore_mem>>)
        %add3A_186 = arith.constant 3 : i32
        %add3A_187 = arith.addi %add3A_128, %add3A_186 : i32
        %add3A_188 = arith.addi %mul3A_0, %add3A_187 : i32
        %mul3A_189 = arith.constant 128 : i32
        %mul3A_190 = arith.muli %add3A_188, %mul3A_189 : i32
        %dma_start3A_191 = tpu.memref_slice %arg4[%mul3A_190] : memref<160000xi32, #tpu.memory_space<hbm>> -> memref<128xi32, #tpu.memory_space<hbm>>
        %dma_start3A_192 = tpu.memref_slice %arg4[%mul3A_190] : memref<160000xi32, #tpu.memory_space<hbm>> -> memref<128xi32, #tpu.memory_space<hbm>>
        tpu.enqueue_dma source(%dma_start3A_192 : memref<128xi32, #tpu.memory_space<hbm>>) target(%arg13 : memref<128xi32, #tpu.memory_space<vmem>>) target_semaphore(%arg18 : memref<!tpu.dma_semaphore, #tpu.memory_space<semaphore_mem>>)
      }
      %scan3A_98 = arith.constant 24 : i32
      %dma_wait3A = arith.constant 0 : i32
      %dma_wait3A_99 = tpu.memref_slice %arg8[%dma_wait3A] : memref<10240xi32, #tpu.memory_space<vmem>> -> memref<128xi32, #tpu.memory_space<vmem>>
      %dma_wait3A_100 = arith.constant 0 : i32
      %dma_wait3A_101 = arith.constant 0 : i32
      %dma_wait3A_102 = tpu.memref_slice %arg2[%arg0, %dma_wait3A_100, %dma_wait3A_101] : memref<2x10000x128xf32, #tpu.memory_space<hbm>> -> memref<1x10000x128xf32, #tpu.memory_space<hbm>>
      %dma_wait3A_103 = tpu.memref_squeeze %dma_wait3A_102 : memref<1x10000x128xf32, #tpu.memory_space<hbm>> -> memref<10000x128xf32, #tpu.memory_space<hbm>>
      %dma_wait3A_104 = arith.constant 0 : i32
      %dma_wait3A_105 = arith.constant 0 : i32
      %dma_wait3A_106 = tpu.memref_slice %dma_wait3A_103[%dma_wait3A_104, %dma_wait3A_105] : memref<10000x128xf32, #tpu.memory_space<hbm>> -> memref<10000x128xf32, #tpu.memory_space<hbm>>
      tpu.wait_indirect_dma semaphore(%arg15 : memref<!tpu.dma_semaphore, #tpu.memory_space<semaphore_mem>>) src(%dma_wait3A_106 : memref<10000x128xf32, #tpu.memory_space<hbm>>) dst(%arg10 : memref<128x128xf32, #tpu.memory_space<vmem>>)
      %dma_wait3A_107 = arith.constant 0 : i32
      %dma_wait3A_108 = tpu.memref_slice %arg4[%dma_wait3A_107] : memref<160000xi32, #tpu.memory_space<hbm>> -> memref<128xi32, #tpu.memory_space<hbm>>
      %dma_wait3A_109 = arith.constant 0 : i32
      %dma_wait3A_110 = tpu.memref_slice %arg4[%dma_wait3A_109] : memref<160000xi32, #tpu.memory_space<hbm>> -> memref<128xi32, #tpu.memory_space<hbm>>
      tpu.wait_dma2 semaphore(%arg17 : memref<!tpu.dma_semaphore, #tpu.memory_space<semaphore_mem>>) src(%dma_wait3A_110 : memref<128xi32, #tpu.memory_space<hbm>>) dst(%arg12 : memref<128xi32, #tpu.memory_space<vmem>>)
      "tpu.region"() ({
        %run_scoped3A = tpu.sem_alloc : memref<!tpu.dma_semaphore, #tpu.memory_space<semaphore_mem>>
        %dma_start3A_124 = arith.constant 0 : i32
        %dma_start3A_125 = arith.constant 0 : i32
        %dma_start3A_126 = tpu.memref_slice %arg7[%dma_start3A_124, %dma_start3A_125] : memref<10008x128xf32, #tpu.memory_space<vmem_shared>> -> memref<10008x128xf32, #tpu.memory_space<vmem_shared>>
        tpu.enqueue_indirect_dma source(%arg10 : memref<128x128xf32, #tpu.memory_space<vmem>>) target(%dma_start3A_126 : memref<10008x128xf32, #tpu.memory_space<vmem_shared>>) offsets(%arg12 : memref<128xi32, #tpu.memory_space<vmem>>) semaphore(%run_scoped3A : memref<!tpu.dma_semaphore, #tpu.memory_space<semaphore_mem>>) {add = true}
        %dma_wait3A_127 = arith.constant 0 : i32
        %dma_wait3A_128 = arith.constant 0 : i32
        %dma_wait3A_129 = tpu.memref_slice %arg7[%dma_wait3A_127, %dma_wait3A_128] : memref<10008x128xf32, #tpu.memory_space<vmem_shared>> -> memref<10008x128xf32, #tpu.memory_space<vmem_shared>>
        tpu.wait_indirect_dma semaphore(%run_scoped3A : memref<!tpu.dma_semaphore, #tpu.memory_space<semaphore_mem>>) src(%arg10 : memref<128x128xf32, #tpu.memory_space<vmem>>) dst(%dma_wait3A_129 : memref<10008x128xf32, #tpu.memory_space<vmem_shared>>)
        tpu.yield
      }) : () -> ()
      %dma_wait3A_111 = arith.constant 0 : i32
      %dma_wait3A_112 = tpu.memref_slice %arg8[%dma_wait3A_111] : memref<10240xi32, #tpu.memory_space<vmem>> -> memref<128xi32, #tpu.memory_space<vmem>>
      %dma_wait3A_113 = arith.constant 0 : i32
      %dma_wait3A_114 = arith.constant 0 : i32
      %dma_wait3A_115 = tpu.memref_slice %arg2[%arg0, %dma_wait3A_113, %dma_wait3A_114] : memref<2x10000x128xf32, #tpu.memory_space<hbm>> -> memref<1x10000x128xf32, #tpu.memory_space<hbm>>
      %dma_wait3A_116 = tpu.memref_squeeze %dma_wait3A_115 : memref<1x10000x128xf32, #tpu.memory_space<hbm>> -> memref<10000x128xf32, #tpu.memory_space<hbm>>
      %dma_wait3A_117 = arith.constant 0 : i32
      %dma_wait3A_118 = arith.constant 0 : i32
      %dma_wait3A_119 = tpu.memref_slice %dma_wait3A_116[%dma_wait3A_117, %dma_wait3A_118] : memref<10000x128xf32, #tpu.memory_space<hbm>> -> memref<10000x128xf32, #tpu.memory_space<hbm>>
      tpu.wait_indirect_dma semaphore(%arg16 : memref<!tpu.dma_semaphore, #tpu.memory_space<semaphore_mem>>) src(%dma_wait3A_119 : memref<10000x128xf32, #tpu.memory_space<hbm>>) dst(%arg11 : memref<128x128xf32, #tpu.memory_space<vmem>>)
      %dma_wait3A_120 = arith.constant 0 : i32
      %dma_wait3A_121 = tpu.memref_slice %arg4[%dma_wait3A_120] : memref<160000xi32, #tpu.memory_space<hbm>> -> memref<128xi32, #tpu.memory_space<hbm>>
      %dma_wait3A_122 = arith.constant 0 : i32
      %dma_wait3A_123 = tpu.memref_slice %arg4[%dma_wait3A_122] : memref<160000xi32, #tpu.memory_space<hbm>> -> memref<128xi32, #tpu.memory_space<hbm>>
      tpu.wait_dma2 semaphore(%arg18 : memref<!tpu.dma_semaphore, #tpu.memory_space<semaphore_mem>>) src(%dma_wait3A_123 : memref<128xi32, #tpu.memory_space<hbm>>) dst(%arg13 : memref<128xi32, #tpu.memory_space<vmem>>)
      "tpu.region"() ({
        %run_scoped3A = tpu.sem_alloc : memref<!tpu.dma_semaphore, #tpu.memory_space<semaphore_mem>>
        %dma_start3A_124 = arith.constant 0 : i32
        %dma_start3A_125 = arith.constant 0 : i32
        %dma_start3A_126 = tpu.memref_slice %arg7[%dma_start3A_124, %dma_start3A_125] : memref<10008x128xf32, #tpu.memory_space<vmem_shared>> -> memref<10008x128xf32, #tpu.memory_space<vmem_shared>>
        tpu.enqueue_indirect_dma source(%arg11 : memref<128x128xf32, #tpu.memory_space<vmem>>) target(%dma_start3A_126 : memref<10008x128xf32, #tpu.memory_space<vmem_shared>>) offsets(%arg13 : memref<128xi32, #tpu.memory_space<vmem>>) semaphore(%run_scoped3A : memref<!tpu.dma_semaphore, #tpu.memory_space<semaphore_mem>>) {add = true}
        %dma_wait3A_127 = arith.constant 0 : i32
        %dma_wait3A_128 = arith.constant 0 : i32
        %dma_wait3A_129 = tpu.memref_slice %arg7[%dma_wait3A_127, %dma_wait3A_128] : memref<10008x128xf32, #tpu.memory_space<vmem_shared>> -> memref<10008x128xf32, #tpu.memory_space<vmem_shared>>
        tpu.wait_indirect_dma semaphore(%run_scoped3A : memref<!tpu.dma_semaphore, #tpu.memory_space<semaphore_mem>>) src(%arg11 : memref<128x128xf32, #tpu.memory_space<vmem>>) dst(%dma_wait3A_129 : memref<10008x128xf32, #tpu.memory_space<vmem_shared>>)
        tpu.yield
      }) : () -> ()
    } else {
    }
    %barrier3A_55 = arith.constant 0 : index
    tpu.barrier barrier_id(%barrier3A_55)
    %lt3A_56 = arith.constant 15 : i32
    %lt3A_57 = arith.cmpi slt, %arg1, %lt3A_56 : i32
    %convert_element_type3A_58 = arith.extui %lt3A_57 : i1 to i32
    %cond3A_59 = arith.constant 0 : i32
    %cond3A_60 = arith.cmpi ne, %convert_element_type3A_58, %cond3A_59 : i32
    scf.if %cond3A_60 {
      %eq3A_66 = arith.constant 0 : i32
      %eq3A_67 = arith.cmpi eq, %arg0, %eq3A_66 : i32
      %convert_element_type3A_68 = arith.extui %eq3A_67 : i1 to i32
      %cond3A_69 = arith.constant 0 : i32
      %cond3A_70 = arith.cmpi ne, %convert_element_type3A_68, %cond3A_69 : i32
      scf.if %cond3A_70 {
        "tpu.region"() ({
          %run_scoped3A = tpu.sem_alloc : memref<!tpu.dma_semaphore, #tpu.memory_space<semaphore_mem>>
          %dma_start3A = arith.constant 0 : i32
          %dma_start3A_76 = tpu.memref_slice %arg6[%mul3A_24, %dma_start3A] : memref<10000x256xf32, #tpu.memory_space<hbm>> -> memref<624x128xf32, #tpu.memory_space<hbm>>
          %dma_start3A_77 = arith.constant 0 : i32
          %dma_start3A_78 = tpu.memref_slice %arg7[%mul3A_24, %dma_start3A_77] : memref<10008x128xf32, #tpu.memory_space<vmem_shared>> -> memref<624x128xf32, #tpu.memory_space<vmem_shared>>
          tpu.enqueue_dma source(%dma_start3A_78 : memref<624x128xf32, #tpu.memory_space<vmem_shared>>) target(%dma_start3A_76 : memref<624x128xf32, #tpu.memory_space<hbm>>) target_semaphore(%run_scoped3A : memref<!tpu.dma_semaphore, #tpu.memory_space<semaphore_mem>>)
          %dma_wait3A = arith.constant 0 : i32
          %dma_wait3A_79 = tpu.memref_slice %arg6[%mul3A_24, %dma_wait3A] : memref<10000x256xf32, #tpu.memory_space<hbm>> -> memref<624x128xf32, #tpu.memory_space<hbm>>
          %dma_wait3A_80 = arith.constant 0 : i32
          %dma_wait3A_81 = tpu.memref_slice %arg7[%mul3A_24, %dma_wait3A_80] : memref<10008x128xf32, #tpu.memory_space<vmem_shared>> -> memref<624x128xf32, #tpu.memory_space<vmem_shared>>
          tpu.wait_dma2 semaphore(%run_scoped3A : memref<!tpu.dma_semaphore, #tpu.memory_space<semaphore_mem>>) src(%dma_wait3A_81 : memref<624x128xf32, #tpu.memory_space<vmem_shared>>) dst(%dma_wait3A_79 : memref<624x128xf32, #tpu.memory_space<hbm>>)
          tpu.yield
        }) : () -> ()
      } else {
      }
      %eq3A_71 = arith.constant 1 : i32
      %eq3A_72 = arith.cmpi eq, %arg0, %eq3A_71 : i32
      %convert_element_type3A_73 = arith.extui %eq3A_72 : i1 to i32
      %cond3A_74 = arith.constant 0 : i32
      %cond3A_75 = arith.cmpi ne, %convert_element_type3A_73, %cond3A_74 : i32
      scf.if %cond3A_75 {
        "tpu.region"() ({
          %run_scoped3A = tpu.sem_alloc : memref<!tpu.dma_semaphore, #tpu.memory_space<semaphore_mem>>
          %dma_start3A = arith.constant 128 : i32
          %dma_start3A_76 = tpu.memref_slice %arg6[%mul3A_24, %dma_start3A] : memref<10000x256xf32, #tpu.memory_space<hbm>> -> memref<624x128xf32, #tpu.memory_space<hbm>>
          %dma_start3A_77 = arith.constant 0 : i32
          %dma_start3A_78 = tpu.memref_slice %arg7[%mul3A_24, %dma_start3A_77] : memref<10008x128xf32, #tpu.memory_space<vmem_shared>> -> memref<624x128xf32, #tpu.memory_space<vmem_shared>>
          tpu.enqueue_dma source(%dma_start3A_78 : memref<624x128xf32, #tpu.memory_space<vmem_shared>>) target(%dma_start3A_76 : memref<624x128xf32, #tpu.memory_space<hbm>>) target_semaphore(%run_scoped3A : memref<!tpu.dma_semaphore, #tpu.memory_space<semaphore_mem>>)
          %dma_wait3A = arith.constant 128 : i32
          %dma_wait3A_79 = tpu.memref_slice %arg6[%mul3A_24, %dma_wait3A] : memref<10000x256xf32, #tpu.memory_space<hbm>> -> memref<624x128xf32, #tpu.memory_space<hbm>>
          %dma_wait3A_80 = arith.constant 0 : i32
          %dma_wait3A_81 = tpu.memref_slice %arg7[%mul3A_24, %dma_wait3A_80] : memref<10008x128xf32, #tpu.memory_space<vmem_shared>> -> memref<624x128xf32, #tpu.memory_space<vmem_shared>>
          tpu.wait_dma2 semaphore(%run_scoped3A : memref<!tpu.dma_semaphore, #tpu.memory_space<semaphore_mem>>) src(%dma_wait3A_81 : memref<624x128xf32, #tpu.memory_space<vmem_shared>>) dst(%dma_wait3A_79 : memref<624x128xf32, #tpu.memory_space<hbm>>)
          tpu.yield
        }) : () -> ()
      } else {
      }
    } else {
    }
    %eq3A_61 = arith.constant 15 : i32
    %eq3A_62 = arith.cmpi eq, %arg1, %eq3A_61 : i32
    %convert_element_type3A_63 = arith.extui %eq3A_62 : i1 to i32
    %cond3A_64 = arith.constant 0 : i32
    %cond3A_65 = arith.cmpi ne, %convert_element_type3A_63, %cond3A_64 : i32
    scf.if %cond3A_65 {
      %eq3A_66 = arith.constant 0 : i32
      %eq3A_67 = arith.cmpi eq, %arg0, %eq3A_66 : i32
      %convert_element_type3A_68 = arith.extui %eq3A_67 : i1 to i32
      %cond3A_69 = arith.constant 0 : i32
      %cond3A_70 = arith.cmpi ne, %convert_element_type3A_68, %cond3A_69 : i32
      scf.if %cond3A_70 {
        "tpu.region"() ({
          %run_scoped3A = tpu.sem_alloc : memref<!tpu.dma_semaphore, #tpu.memory_space<semaphore_mem>>
          %dma_start3A = arith.constant 0 : i32
          %dma_start3A_76 = tpu.memref_slice %arg6[%mul3A_24, %dma_start3A] : memref<10000x256xf32, #tpu.memory_space<hbm>> -> memref<640x128xf32, #tpu.memory_space<hbm>>
          %dma_start3A_77 = arith.constant 0 : i32
          %dma_start3A_78 = tpu.memref_slice %arg7[%mul3A_24, %dma_start3A_77] : memref<10008x128xf32, #tpu.memory_space<vmem_shared>> -> memref<640x128xf32, #tpu.memory_space<vmem_shared>>
          tpu.enqueue_dma source(%dma_start3A_78 : memref<640x128xf32, #tpu.memory_space<vmem_shared>>) target(%dma_start3A_76 : memref<640x128xf32, #tpu.memory_space<hbm>>) target_semaphore(%run_scoped3A : memref<!tpu.dma_semaphore, #tpu.memory_space<semaphore_mem>>)
          %dma_wait3A = arith.constant 0 : i32
          %dma_wait3A_79 = tpu.memref_slice %arg6[%mul3A_24, %dma_wait3A] : memref<10000x256xf32, #tpu.memory_space<hbm>> -> memref<640x128xf32, #tpu.memory_space<hbm>>
          %dma_wait3A_80 = arith.constant 0 : i32
          %dma_wait3A_81 = tpu.memref_slice %arg7[%mul3A_24, %dma_wait3A_80] : memref<10008x128xf32, #tpu.memory_space<vmem_shared>> -> memref<640x128xf32, #tpu.memory_space<vmem_shared>>
          tpu.wait_dma2 semaphore(%run_scoped3A : memref<!tpu.dma_semaphore, #tpu.memory_space<semaphore_mem>>) src(%dma_wait3A_81 : memref<640x128xf32, #tpu.memory_space<vmem_shared>>) dst(%dma_wait3A_79 : memref<640x128xf32, #tpu.memory_space<hbm>>)
          tpu.yield
        }) : () -> ()
      } else {
      }
      %eq3A_71 = arith.constant 1 : i32
      %eq3A_72 = arith.cmpi eq, %arg0, %eq3A_71 : i32
      %convert_element_type3A_73 = arith.extui %eq3A_72 : i1 to i32
      %cond3A_74 = arith.constant 0 : i32
      %cond3A_75 = arith.cmpi ne, %convert_element_type3A_73, %cond3A_74 : i32
      scf.if %cond3A_75 {
        "tpu.region"() ({
          %run_scoped3A = tpu.sem_alloc : memref<!tpu.dma_semaphore, #tpu.memory_space<semaphore_mem>>
          %dma_start3A = arith.constant 128 : i32
          %dma_start3A_76 = tpu.memref_slice %arg6[%mul3A_24, %dma_start3A] : memref<10000x256xf32, #tpu.memory_space<hbm>> -> memref<640x128xf32, #tpu.memory_space<hbm>>
          %dma_start3A_77 = arith.constant 0 : i32
          %dma_start3A_78 = tpu.memref_slice %arg7[%mul3A_24, %dma_start3A_77] : memref<10008x128xf32, #tpu.memory_space<vmem_shared>> -> memref<640x128xf32, #tpu.memory_space<vmem_shared>>
          tpu.enqueue_dma source(%dma_start3A_78 : memref<640x128xf32, #tpu.memory_space<vmem_shared>>) target(%dma_start3A_76 : memref<640x128xf32, #tpu.memory_space<hbm>>) target_semaphore(%run_scoped3A : memref<!tpu.dma_semaphore, #tpu.memory_space<semaphore_mem>>)
          %dma_wait3A = arith.constant 128 : i32
          %dma_wait3A_79 = tpu.memref_slice %arg6[%mul3A_24, %dma_wait3A] : memref<10000x256xf32, #tpu.memory_space<hbm>> -> memref<640x128xf32, #tpu.memory_space<hbm>>
          %dma_wait3A_80 = arith.constant 0 : i32
          %dma_wait3A_81 = tpu.memref_slice %arg7[%mul3A_24, %dma_wait3A_80] : memref<10008x128xf32, #tpu.memory_space<vmem_shared>> -> memref<640x128xf32, #tpu.memory_space<vmem_shared>>
          tpu.wait_dma2 semaphore(%run_scoped3A : memref<!tpu.dma_semaphore, #tpu.memory_space<semaphore_mem>>) src(%dma_wait3A_81 : memref<640x128xf32, #tpu.memory_space<vmem_shared>>) dst(%dma_wait3A_79 : memref<640x128xf32, #tpu.memory_space<hbm>>)
          tpu.yield
        }) : () -> ()
      } else {
      }
    } else {
    }
    return
  }
}

module attributes {stable_mosaic.version = 14 : i64} {
  func.func @body(%arg0: i32, %arg1: i32, %arg2: memref<1000x256xf32, #tpu.memory_space<vmem>>, %arg3: memref<1x256x128xf32, #tpu.memory_space<vmem>>, %arg4: memref<1x1000x128xf32, #tpu.memory_space<vmem>>) attributes {dimension_semantics = [#tpu.dimension_semantics<arbitrary>, #tpu.dimension_semantics<arbitrary>], iteration_bounds = array<i64: 2, 10>, scalar_prefetch = 0 : i64, scratch_operands = 0 : i64, tpu.core_type = #tpu.core_type<tc>, window_params = [{transform_indices = @transform_0, window_bounds = array<i64: 1000, 256>}, {transform_indices = @transform_1, window_bounds = array<i64: 1, 256, 128>}, {transform_indices = @transform_2, window_bounds = array<i64: 1, 1000, 128>}]} {
    %get3A = arith.constant 0 : index
    %get3A_0 = arith.constant 0 : index
    %get3A_1 = vector.load %arg2[%get3A, %get3A_0] : memref<1000x256xf32, #tpu.memory_space<vmem>>, vector<1000x256xf32>
    %get3A_2 = arith.constant 0 : index
    %get3A_3 = arith.constant 0 : index
    %get3A_4 = arith.constant 0 : index
    %get3A_5 = vector.load %arg3[%get3A_2, %get3A_3, %get3A_4] : memref<1x256x128xf32, #tpu.memory_space<vmem>>, vector<1x256x128xf32>
    %get3A_6 = vector.shape_cast %get3A_5 : vector<1x256x128xf32> to vector<256x128xf32>
    %dot_general3A = arith.constant dense<0.000000e+00> : vector<1000x128xf32>
    %dot_general3A_7 = tpu.matmul %get3A_1, %get3A_6, %dot_general3A {dimension_numbers = #tpu.dot_dimension_numbers<[1], [0], [0], [1], [0, 0, 1, 1], [], []>, transpose_lhs_hint = false} : vector<1000x256xf32>, vector<256x128xf32>, vector<1000x128xf32> -> vector<1000x128xf32>
    %swap3A = arith.constant 0 : index
    %swap3A_8 = arith.constant 0 : index
    %swap3A_9 = arith.constant 0 : index
    %swap3A_10 = vector.load %arg4[%swap3A, %swap3A_8, %swap3A_9] : memref<1x1000x128xf32, #tpu.memory_space<vmem>>, vector<1x1000x128xf32>
    %swap3A_11 = vector.shape_cast %swap3A_10 : vector<1x1000x128xf32> to vector<1000x128xf32>
    %swap3A_12 = vector.shape_cast %dot_general3A_7 : vector<1000x128xf32> to vector<1x1000x128xf32>
    tpu.vector_store %arg4[%swap3A, %swap3A_8, %swap3A_9], %swap3A_12 {strides = array<i32>} : memref<1x1000x128xf32, #tpu.memory_space<vmem>>, vector<1x1000x128xf32>,
    return
  }
  func.func @transform_0(%arg0: i32, %arg1: i32) -> (i32, i32) {
    %c0_i32 = arith.constant 0 : i32
    %c0_i32_0 = arith.constant 0 : i32
    return %arg1, %c0_i32 : i32, i32
  }
  func.func @transform_1(%arg0: i32, %arg1: i32) -> (i32, i32, i32) {
    %c0_i32 = arith.constant 0 : i32
    %c0_i32_0 = arith.constant 0 : i32
    %c0_i32_1 = arith.constant 0 : i32
    return %arg0, %c0_i32, %c0_i32_0 : i32, i32, i32
  }
  func.func @transform_2(%arg0: i32, %arg1: i32) -> (i32, i32, i32) {
    %c0_i32 = arith.constant 0 : i32
    %c0_i32_0 = arith.constant 0 : i32
    return %arg0, %arg1, %c0_i32 : i32, i32, i32
  }
}

</mosaic_0001>

<sc_bundles>
// kernel: kernel.4.cloned.1.call-start
scs
__scs_entry_jumppad:
0x0: {  	(pc) =	sbr.rel $0x88, $3  }
0x1: {  	(tag) =	ssettag $0x0;
	lr =	simm.s32 $0x1  }
0x2: {  	[smem:$0x3F9D] =	sst lr;
	_ =	strace $0xD0000000  }
0x3: {  	_ = 	snop  }
0x4: {  	_ = 	snop  }
0x5: {  	_ = 	snop  }
0x6: {  	_ = 	snop  }
0x7: {  	_ = 	snop  }
__scs_overlays_trampoline_lowered:
0x8: {  	[smem:$0x3FAC] =	sst s0  }
0x9: {  	[smem:$0x3FAD] =	sst s1  }
0xa: {  	[smem:$0x3FAE] =	sst s2  }
0xb: {  	[smem:$0x3FAF] =	sst s3  }
0xc: {  	[smem:$0x3FB0] =	sst s4  }
0xd: {  	[smem:$0x3FB1] =	sst s5  }
0xe: {  	[smem:$0x3FB2] =	sst s6  }
0xf: {  	[smem:$0x3FB3] =	sst s7  }
0x10: {  	[smem:$0x3FB4] =	sst s8  }
0x11: {  	[smem:$0x3FB5] =	sst s9;
	s0 =	simm.s32 @!p0 $0x0  }
0x12: {  	s1 =	sld [smem:$0x3F9B];
	s0 =	simm.s32 @p0 $0x1  }
0x13: {  	[smem:$0x3FB6] =	sst s0;
	s0 =	simm.s32 @!p1 $0x0  }
0x14: {  	s2 =	sld [smem:$0x3F9A];
	s0 =	simm.s32 @p1 $0x1  }
0x15: {  	[smem:$0x3FB7] =	sst s0;
	s0 =	simm.s32 @!p2 $0x0  }
0x16: {  	s3 =	sld [smem:$0x3FDB];
	s0 =	simm.s32 @p2 $0x1  }
0x17: {  	s4 =	simm.s32 $0x1BF5;
	[smem:$0x3FB9] =	sst s0  }
0x18: {  	s0 =	sld [smem:$0x3F9C];
	_ =	swait.ge [sflag:s4], $0x0  }
0x19: {  	s7 =	sld [smem:$0x3F9D]  }
0x1a: {  	s8 =	sadd.s32 $0xFFFFE003, lr  }
0x1b: {  	s9 =	sadd.s32 $0xFFFFFEF7, lr;
	s5 =	simm.s32 $0xFFFFFFFF;
	p2 =	slt.u32 s8, $0xFFFFF086  }
0x1c: {  	p1 =	slt.u32 s9, $0xF7A;
	s5 =	simm.s32 @!p2 $0x0  }
0x1d: {  	s5 =	simm.s32 @p1 $0x1;
	p0 =	seq.s32 s7, s2  }
0x1e: {  	s7 =	smul.u32 @!p0 $0xF7A, s2;
	p2 =	seq.s32 @!p0 s5, $0x0  }
0x1f: {  	s9 =	smul.u32 $0xF7A, s1;
	s8 =	simm.s32 @!p0 $0x1BF5;
	p2 =	por !p2, p0  }
0x20: {  	[sflag:s8] =	ssyncset.s32 @!p0 $0xFFFFF086;
	s6 =	sadd.s32 @!p0 s3, s7;
	s7 =	simm.s32 @!p0 $0x108  }
0x21: {  	s3 =	sadd.s32 s3, s9;
	s6 =	sadd.s32 @!p0 $0x88, s6;
	s7 =	simm.s32 @p2 $0x1082  }
0x22: {  	[simem:s7], [sflag:s8] =	dma.local @!p0 [hbm:s6], $0xF7A  }
0x23: {  	s9 =	sor.u32 $0xD0000000, s2;
	s6 =	simm.s32 $0x108;
	_ =	swait.ge @!p0 [sflag:s8], $0x0  }
0x24: {  	s3 =	sadd.s32 $0x88, s3;
	s6 =	simm.s32 @!p1 $0x1082;
	[sflag:s4] =	ssyncset.s32 $0xFFFFF086  }
0x25: {  	[simem:s6], [sflag:s4] =	dma.local [hbm:s3], $0xF7A  }
0x26: {  	[smem:$0x3F9D] =	sst s1;
	(tag) =	ssettag s2;
	_ =	strace s9  }
0x27: {  	s1 =	sld [smem:$0x3FAD]  }
0x28: {  	s2 =	sld [smem:$0x3FAE]  }
0x29: {  	s4 =	sld [smem:$0x3FB0]  }
0x2a: {  	p0 =	seq.s32 s5, $0x0;
	s5 =	sld [smem:$0x3FB1]  }
0x2b: {  	s6 =	sld [smem:$0x3FB2]  }
0x2c: {  	s7 =	sld [smem:$0x3FB3]  }
0x2d: {  	s3 =	simm.s32 $0x108;
	s8 =	sld [smem:$0x3FB4]  }
0x2e: {  	s3 =	simm.s32 @!p0 $0x1082;
	s9 =	sld [smem:$0x3FB5]  }
0x2f: {  	lr =	sadd.s32 s0, s3;
	s0 =	sld [smem:$0x3FAC]  }
0x30: {  	s3 =	sld [smem:$0x3FAF]  }
0x31: {  	[smem:$0x3FB8] =	sst s10  }
0x32: {  	s10 =	sld [smem:$0x3FB6];
	_ =	sdelay $0x3  }
0x33: {  	p0 =	seq.s32 s10, $0x1;
	s10 =	sld [smem:$0x3FB8];
	_ =	sdelay $0x3  }
0x34: {  	[smem:$0x3FB8] =	sst s10  }
0x35: {  	s10 =	sld [smem:$0x3FB7];
	_ =	sdelay $0x3  }
0x36: {  	p1 =	seq.s32 s10, $0x1;
	s10 =	sld [smem:$0x3FB8];
	_ =	sdelay $0x3  }
0x37: {  	[smem:$0x3FB8] =	sst s10  }
0x38: {  	s10 =	sld [smem:$0x3FB9]  }
0x39: {  	_ = 	snop;
	(pc) =	sbr.ind lr, $3  }
0x3a: {  	_ = 	snop  }
0x3b: {  	_ = 	snop  }
0x3c: {  	p2 =	seq.s32 s10, $0x1;
	s10 =	sld [smem:$0x3FB8]  }
0x3d: {  	_ =	shalt  }
0x3e: {  	_ =	shalt  }
0x3f: {  	_ =	shalt  }
0x40: {  	_ =	shalt  }
0x41: {  	_ =	shalt  }
0x42: {  	_ =	shalt  }
0x43: {  	_ =	shalt  }
0x44: {  	_ =	shalt  }
0x45: {  	_ =	shalt  }
0x46: {  	_ =	shalt  }
0x47: {  	_ =	shalt  }
0x48: {  	_ =	shalt  }
0x49: {  	_ =	shalt  }
0x4a: {  	_ =	shalt  }
0x4b: {  	_ =	shalt  }
0x4c: {  	_ =	shalt  }
0x4d: {  	_ =	shalt  }
0x4e: {  	_ =	shalt  }
0x4f: {  	_ =	shalt  }
0x50: {  	_ =	shalt  }
0x51: {  	_ =	shalt  }
0x52: {  	_ =	shalt  }
0x53: {  	_ =	shalt  }
0x54: {  	_ =	shalt  }
0x55: {  	_ =	shalt  }
0x56: {  	_ =	shalt  }
0x57: {  	_ =	shalt  }
0x58: {  	_ =	shalt  }
0x59: {  	_ =	shalt  }
0x5a: {  	_ =	shalt  }
0x5b: {  	_ =	shalt  }
0x5c: {  	_ =	shalt  }
0x5d: {  	_ =	shalt  }
0x5e: {  	_ =	shalt  }
0x5f: {  	_ =	shalt  }
0x60: {  	_ =	shalt  }
0x61: {  	_ =	shalt  }
0x62: {  	_ =	shalt  }
0x63: {  	_ =	shalt  }
0x64: {  	_ =	shalt  }
0x65: {  	_ =	shalt  }
0x66: {  	_ =	shalt  }
0x67: {  	_ =	shalt  }
0x68: {  	_ =	shalt  }
0x69: {  	_ =	shalt  }
0x6a: {  	_ =	shalt  }
0x6b: {  	_ =	shalt  }
0x6c: {  	_ =	shalt  }
0x6d: {  	_ =	shalt  }
0x6e: {  	_ =	shalt  }
0x6f: {  	_ =	shalt  }
0x70: {  	_ =	shalt  }
0x71: {  	_ =	shalt  }
0x72: {  	_ =	shalt  }
0x73: {  	_ =	shalt  }
0x74: {  	_ =	shalt  }
0x75: {  	_ =	shalt  }
0x76: {  	_ =	shalt  }
0x77: {  	_ =	shalt  }
0x78: {  	_ =	shalt  }
0x79: {  	_ =	shalt  }
0x7a: {  	_ =	shalt  }
0x7b: {  	_ =	shalt  }
0x7c: {  	_ =	shalt  }
0x7d: {  	_ =	shalt  }
0x7e: {  	_ =	shalt  }
0x7f: {  	_ =	shalt  }
0x80: {  	_ =	shalt  }
0x81: {  	_ =	shalt  }
0x82: {  	_ =	shalt  }
0x83: {  	_ =	shalt  }
0x84: {  	_ =	shalt  }
0x85: {  	_ =	shalt  }
0x86: {  	_ =	shalt  }
0x87: {  	_ =	shalt  }
.Lfunc_end0:
.L_simem_size_0:
called_computation_lowered:
.L_overlay_start_0:
0x88: {  	s2 =	sld [smem:$0x3FD9]  }
0x89: {  	s3 =	sld [smem:$0x3FFE];
	_ =	sdelay $0x1  }
0x8a: {  	s1 =	srdreg.scid  }
0x8b: {  	s0 =	sand.u32 $0x1, s1  }
0x8c: {  	s17 =	sshll.u32 s0, $0xA;
	s2 =	sadd.s32 s3, s2  }
0x8d: {  	s2 =	sadd.s32 s2, s17  }
0x8e: {  	[smem:$0x3FC4] =	sst s2  }
0x8f: {  	_ = 	snop  }
0x90: {  	s2 =	sld [smem:$0x3FC6]  }
0x91: {  	s18 =	sld [smem:$0x3FD0];
	(tm) =	ssettm $0x1  }
0x92: {  	s4 =	sld [smem:$0x3FFB];
	_ =	sdelay $0x3  }
0x93: {  	_ =	strace s4  }
0x94: {  	s4 =	sld [smem:$0x3FFC];
	_ =	sdelay $0x3  }
0x95: {  	_ =	strace s4  }
0x96: {  	s4 =	sld [smem:$0x3FFD];
	_ =	sdelay $0x3  }
0x97: {  	_ =	strace s4  }
0x98: {  	_ =	strace $0x8FFFFFFF  }
0x99: {  	s19 =	sld [smem:$0x3FDB];
	_ =	sdelay $0x1  }
0x9a: {  	s5 =	simm.s32 $_scs_section_size  }
0x9b: {  	s6 =	simm.s32 $_size__tile_overlayer_lowered;
	s7 =	simm.s32 $_tile_overlayer_lowered  }
0x9c: {  	s22 =	simm.s32 $0x1BFF;
	s21 =	sshll.u32 s7, $0x1;
	s4 =	sadd.s32 s5, s19  }
0x9d: {  	s8 =	simm.s32 $0x0;
	s20 =	sshll.u32 s6, $0x1;
	s6 =	sadd.s32 s21, s4  }
0x9e: {  	[timem:s8], [sflag:s22] =	dma.local [hbm:s6], s20  }
0x9f: {  	_ =	swait.ge [sflag:s22], s20  }
0xa0: {  	s5 =	ssub.s32 $0x0, s20;
	[sflag:s22] =	ssyncset.done $0x0  }
0xa1: {  	[sflag:s22] =	ssyncadd.s32 s5;
	_ =	sdelay $0x1  }
0xa2: {  	s23 =	simm.s32 $0x1B8B  }
0xa3: {  	_ =	swait.ge [sflag:s23], $0x1  }
0xa4: {  	[sflag:s23] =	ssyncset.done $0x0  }
0xa5: {  	s25 =	simm.s32 $0x1B8E;
	s24 =	sld [smem:$0x3FFE];
	[sflag:s23] =	ssyncadd.s32 $0xFFFFFFFF  }
0xa6: {  	s26 =	simm.s32 $execute0_lowered;
	[smem:$0x3FD2] =	sst s25  }
0xa7: {  	s6 =	sshll.u32 s26, $0x1;
	_ =	strace $0x80000046;
	[dreg:$0x1] =	wrdreg $0xFFFFFFFF  }
0xa8: {  	s28 =	simm.s32 $_size_execute0_lowered;
	s4 =	sadd.s32 s4, s6;
	[dreg:$0x0] =	wrdreg $0x0  }
0xa9: {  	s6 =	sshll.u32 s28, $0x1;
	[dreg:$0x2] =	wrdreg s4  }
0xaa: {  	[dreg:$0x3] =	wrdreg s6  }
0xab: {  	[dreg:$0x4] =	wrdreg $0xC0  }
0xac: {  	_ =	task [dreg:s8], $0x5FFFF  }
0xad: {  	[dreg:$0x1] =	wrdreg $0xFFFFFFFF  }
0xae: {  	[dreg:$0x0] =	wrdreg $0x60  }
0xaf: {  	[dreg:$0x2] =	wrdreg s24  }
0xb0: {  	[dreg:$0x3] =	wrdreg s2  }
0xb1: {  	[dreg:$0x4] =	wrdreg s18  }
0xb2: {  	[dreg:$0x5] =	wrdreg $0x0  }
0xb3: {  	[dreg:$0x6] =	wrdreg $0x9  }
0xb4: {  	_ =	task.clear_ibuf [dreg:s8], $0x7FFFF;
	_ =	strace $0x90000046  }
0xb5: {  	s29 =	simm.s32 $0x9;
	_ =	strace $0x80000048  }
0xb6: {  	_ =	swait.ge [sflag:s29], $0x1  }
0xb7: {  	[sflag:s29] =	ssyncadd.s32 $0xFFFFFFFF  }
0xb8: {  	_ =	strace $0x90000048  }
0xb9: {  	_ =	sfence  }
0xba: {  	s30 =	sld [smem:$0x0];
	_ =	sdelay $0x2  }
0xbb: {  	s31 =	sshll.u32 s1, $0xD;
	s1 =	sshrl.u32 s1, $0x2  }
0xbc: {  	s3 =	sand.u32 $0x4000, s31;
	s1 =	sadd.s32 s1, s30  }
0xbd: {  	s0 =	sor.u32 s3, s0;
	s1 =	sshll.u32 s1, $0x11  }
0xbe: {  	s0 =	sor.u32 s1, s0  }
0xbf: {  	s0 =	sadd.s32 $0x8F2B, s0  }
0xc0: {  	[sflag:s0] =	ssyncadd.remote.s32 $0x1  }
0xc1: {  	_ =	sfence.sel $0xFFFF  }
0xc2: {  	[dreg:$0x0] =	wrdreg $0xFFFFFFFF;
	(pc) =	sbr.abs _section_cstart, $3  }
0xc3: {  	[dreg:$0x1] =	wrdreg $0xFFFFFFFF  }
0xc4: {  	_ =	task.clear_ibuf [dreg:s8], $0x2FFFF;
	_ =	strace $0x9FFFFFFF  }
0xc5: {  	(tm) =	ssettm $0x7FFFFFFF  }
tec
execute0_lowered:
.L_overlay_start_1:
0x0: {  	(tag) =	ssettag $0x1  }
0x1: {  	s1 =	rddreg [dreg:$0x0]  }
0x2: {  	s0 =	rddreg [dreg:$0x1]  }
0x3: {  	s10 =	rddreg [dreg:$0x2]  }
0x4: {  	s2 =	rddreg [dreg:$0x3];
	s3 =	srdreg.scid;
	s4 =	simm.s32 $0x0  }
0x5: {  	s31 =	simm.s32 $0x6;
	s30 =	simm.s32 $0x1A140;
	s11 =	sand.u32 $0x1, s3  }
0x6: {  	s3 =	stileid.u32;
	[smem:$0x7FF] =	sst s4;
	s17 =	sadd.s32 $0x4B00, s1  }
0x7: {  	s18 =	sadd.s32 $0x4B10, s1;
	s20 =	sadd.s32 $0x49280, s10;
	s24 =	sadd.s32 $0x128800, s2  }
0x8: {  	s25 =	sadd.s32 $0x12C800, s2;
	_ =	strace $0x80000047;
	[dreg:$0x7] =	wrdreg s17  }
0x9: {  	s26 =	sadd.s32 $0x130800, s2;
	s5 =	smul.u32 $0x27100, s11;
	[dreg:$0x8] =	wrdreg s18  }
0xa: {  	s28 =	sadd.s32 $0x134800, s2;
	s6 =	smul.u32 $0x500, s3;
	[dreg:$0xb] =	wrdreg s20  }
0xb: {  	s7 =	ssub.s32 $0x2, s11;
	s8 =	smul.u32 $0x4E000, s3;
	[dreg:$0x10] =	wrdreg s24  }
0xc: {  	s14 =	smul.u32 $0x4E00, s3;
	s17 =	sadd.s32 $0x124800, s2;
	[dreg:$0x11] =	wrdreg s25  }
0xd: {  	p0 =	seq.s32 s11, $0x0;
	p1 =	seq.s32 s3, $0xF;
	[dreg:$0x12] =	wrdreg s26  }
0xe: {  	[dreg:$0x13] =	wrdreg s28;
	s9 =	sshrl.u32 s7, $0x1;
	s12 =	sadd.s32 s5, s1  }
0xf: {  	s5 =	sadd.s32 s1, s6;
	s13 =	ssub.s32 s7, s9;
	s8 =	sshrl.u32 s8, $0x2  }
0x10: {  	s7 =	sadd.s32 $0x9B00, s1;
	s9 =	sadd.s32 $0x10, s0;
	s14 =	sadd.s32 s10, s14  }
0x11: {  	s10 =	sadd.s32 $0x49200, s10;
	s6 =	sadd.s32 $0x5000, s5;
	s8 =	sadd.s32 s8, s2  }
0x12: {  	s16 =	sadd.s32 $0x10, s5;
	s12 =	sadd.s32 $0xA000, s12;
	[dreg:$0xa] =	wrdreg s14  }
0x13: {  	s19 =	sadd.s32 $0x80, s14;
	[dreg:$0xc] =	wrdreg s10;
	s20 =	smax.u32 s13, $0x1  }
0x14: {  	s9 =	smov.u32 @p0 s0;
	p0 =	sne.s32 s11, $0x0;
	s29 =	sadd.s32 $0x20, s5  }
0x15: {  	s0 =	simm.s32 $0x16140;
	s10 =	simm.s32 $0x1;
	[dreg:$0x6] =	wrdreg s16  }
0x16: {  	s11 =	simm.s32 $0x1E140;
	s15 =	sadd.s32 $0x10000, s8;
	[dreg:$0x9] =	wrdreg s19  }
.Ltmp0:
0x17: {  	s21 =	sadd.s32 $0x4000, s8;
	[dreg:$0x5] =	wrdreg s15;
	(pc) =	sbr.rel .LBB2_1-.Ltmp0, $4  }
0x18: {  	s13 =	simm.s32 $0x1E1C0;
	s22 =	sadd.s32 $0x8000, s8;
	[dreg:$0xd] =	wrdreg s21  }
0x19: {  	s23 =	sadd.s32 $0xC000, s8;
	s19 =	simm.s32 $0x2;
	[dreg:$0xe] =	wrdreg s22  }
0x1a: {  	s16 =	simm.s32 $0x0;
	[dreg:$0xf] =	wrdreg s23;
	s15 =	simm.s32 $0x80  }
0x1b: {  	s21 =	simm.s32 $0x4;
	s22 =	simm.s32 $0x3;
	s23 =	simm.s32 $0x5  }
.LBB2_6:
0x1c: {  	[tilespmem:s13], [sflag:$0x5] =	stream.linear.gather [hbm4b:s25+s4], $0x80, $0x38;
	[tilespmem:$0x1E240] =	vst v63  }
0x1d: {  	_ =	swait.ge [sflag:s19], $0x4000  }
0x1e: {  	[sflag:s19] =	ssyncset.done $0x0  }
0x1f: {  	[sflag:s19] =	ssyncadd.s32 $0xFFFFC000  }
0x20: {  	_ =	swait.ge [sflag:s21], $0x80  }
0x21: {  	[sflag:s21] =	ssyncset.done $0x0  }
0x22: {  	[sflag:s21] =	ssyncadd.s32 $0xFFFFFF80  }
0x23: {  	[spmem:s2] =	stream.indirect.scatter.add.f32 [tilespmem:s0], [sflag:$0x6], $0x80, s11, s15, $0xb8;
	[tilespmem:$0x1E240] =	vst v63  }
0x24: {  	_ =	swait.ge [sflag:s31], $0x4000  }
0x25: {  	[sflag:s31] =	ssyncset.done $0x0  }
0x26: {  	[sflag:s31] =	ssyncadd.s32 $0xFFFFC000  }
0x27: {  	_ =	swait.ge [sflag:s22], $0x4000  }
0x28: {  	[sflag:s22] =	ssyncset.done $0x0  }
0x29: {  	[sflag:s22] =	ssyncadd.s32 $0xFFFFC000  }
0x2a: {  	_ =	swait.ge [sflag:s23], $0x80  }
0x2b: {  	[sflag:s23] =	ssyncset.done $0x0  }
0x2c: {  	[sflag:s23] =	ssyncadd.s32 $0xFFFFFF80  }
0x2d: {  	[spmem:s2] =	stream.indirect.scatter.add.f32 [tilespmem:s30], [sflag:$0x6], $0x80, s13, s15, $0xb8;
	[tilespmem:$0x1E240] =	vst v63  }
0x2e: {  	_ =	swait.ge [sflag:s31], $0x4000  }
0x2f: {  	[sflag:s31] =	ssyncset.done $0x0  }
0x30: {  	s18 =	sshll.u32 @p0 s3, $0x6;
	s24 =	sshrl.u32 @p0 s8, $0x3;
	[sflag:s31] =	ssyncadd.s32 $0xFFFFC000  }
0x31: {  	s25 =	simm.s32 @p0 $0x8;
	s26 =	simm.s32 @p0 $0x100;
	[bflag:$0x0] =	sbarrier.arrive $0xFFFF  }
0x32: {  	s28 =	simm.s32 @p0 $0x80;
	s18 =	sor.u32 @p0 $0x1C06, s18;
	s14 =	rddreg [dreg:$0x9]  }
0x33: {  	[hbm:s14@s26], [sflag:s18] =	dma.strided @p0 [spmem:s24@s28], $0x2700, s25, $0x10   }
0x34: {  	s18 =	simm.s32 @p0 $0x6;
	s24 =	sshll.u32 @!p0 s3, $0x6  }
0x35: {  	s25 =	simm.s32 @!p0 $0x8;
	s26 =	simm.s32 @!p0 $0x100;
	_ =	swait.ge @p0 [sflag:s18], $0x2700  }
0x36: {  	s28 =	simm.s32 @!p0 $0x80;
	[sflag:s18] =	ssyncset.done @p0 $0x0;
	s14 =	rddreg [dreg:$0xa]  }
0x37: {  	[sflag:s18] =	ssyncadd.s32 @p0 $0xFFFFD900;
	s18 =	sor.u32 @!p0 $0x1C06, s24;
	s24 =	sshrl.u32 @!p0 s8, $0x3  }
0x38: {  	[hbm:s14@s26], [sflag:s18] =	dma.strided @!p0 [spmem:s24@s28], $0x2700, s25, $0x10   }
0x39: {  	s18 =	simm.s32 @!p0 $0x6  }
0x3a: {  	_ =	swait.ge @!p0 [sflag:s18], $0x2700  }
0x3b: {  	[sflag:s18] =	ssyncset.done @!p0 $0x0  }
0x3c: {  	[sflag:s18] =	ssyncadd.s32 @!p0 $0xFFFFD900  }
.LBB2_10:
0x3d: {  	s16 =	sadd.s32 $0x1, s16  }
0x3e: {  	p2 =	sne.s32 s16, s20  }
.Ltmp1:
0x3f: {  	_ = 	snop;
	(pc) =	sbr.rel @!p2 .LBB2_11-.Ltmp1, $1  }
0x40: {  	_ =	sdelay $0x3  }
.LBB2_1:
0x41: {  	s18 =	simm.s32 @p1 $0x0;
	s24 =	simm.s32 @p1 $0x138C0  }
0x42: {  	[tilespmem:s24], [sflag:$0x1] =	stream.linear.gather @p1 [hbm4b:s7+s18], $0x1900, $0x38;
	[tilespmem:$0x1E240] =	vst v63  }
0x43: {  	s18 =	simm.s32 @!p1 $0x0;
	s24 =	simm.s32 @!p1 $0x138C0  }
0x44: {  	[tilespmem:s24], [sflag:$0x1] =	stream.linear.gather @!p1 [hbm4b:s6+s18], $0x2800, $0x38;
	[tilespmem:$0x1E240] =	vst v63  }
0x45: {  	s14 =	simm.s32 $0x160C0  }
0x46: {  	[tilespmem:s14], [sflag:$0x6] =	stream.linear.gather [hbm4b:s9+s4], $0x80, $0x38;
	[tilespmem:$0x1E240] =	vst v63  }
0x47: {  	_ =	swait.ge [sflag:s31], $0x80  }
0x48: {  	[sflag:s31] =	ssyncset.done $0x0  }
0x49: {  	[sflag:s31] =	ssyncadd.s32 $0xFFFFFF80  }
0x4a: {  	s24 =	simm.s32 $0x200;
	s18 =	simm.s32 $0x0;
	v0 =	vld [tilespmem:$0x160C0]  }
.LBB2_2:
0x4b: {  	p2 =	sne.s32 s24, $0xFE00;
	_ =	sdelay $0x2  }
0x4c: {  	s25 =	sshra.s32 s18, $0x2;
	s18 =	smov.u32 s24  }
0x4d: {  	[tilespmem:s25+$0x16140] =	vst v0  }
0x4e: {  	v0 =	vld [tilespmem:$0x160D0];
	_ =	sdelay $0x4  }
0x4f: {  	[tilespmem:s25+$0x16150] =	vst v0  }
0x50: {  	v0 =	vld [tilespmem:$0x160E0];
	_ =	sdelay $0x4  }
0x51: {  	[tilespmem:s25+$0x16160] =	vst v0  }
0x52: {  	v0 =	vld [tilespmem:$0x160F0];
	_ =	sdelay $0x4  }
0x53: {  	[tilespmem:s25+$0x16170] =	vst v0  }
0x54: {  	v0 =	vld [tilespmem:$0x16100];
	_ =	sdelay $0x4  }
0x55: {  	[tilespmem:s25+$0x16180] =	vst v0  }
0x56: {  	v0 =	vld [tilespmem:$0x16110];
	_ =	sdelay $0x4  }
0x57: {  	[tilespmem:s25+$0x16190] =	vst v0  }
0x58: {  	v0 =	vld [tilespmem:$0x16120];
	_ =	sdelay $0x4  }
0x59: {  	[tilespmem:s25+$0x161A0] =	vst v0  }
0x5a: {  	v0 =	vld [tilespmem:$0x16130];
	_ =	sdelay $0x1  }
.Ltmp2:
0x5b: {  	(pc) =	sbr.rel @p2 .LBB2_2-.Ltmp2, $3  }
0x5c: {  	_ =	sdelay $0x1  }
0x5d: {  	[tilespmem:s25+$0x161B0] =	vst v0  }
0x5e: {  	s24 =	sadd.s32 $0x200, s24;
	v0 =	vld [tilespmem:$0x160C0]  }
0x5f: {  	_ =	sdelay $0x2  }
0x60: {  	s18 =	sshra.s32 s18, $0x2  }
0x61: {  	[tilespmem:s18+$0x16140] =	vst v0  }
0x62: {  	v0 =	vld [tilespmem:$0x160D0];
	_ =	sdelay $0x4  }
0x63: {  	[tilespmem:s18+$0x16150] =	vst v0  }
0x64: {  	v0 =	vld [tilespmem:$0x160E0];
	_ =	sdelay $0x4  }
0x65: {  	[tilespmem:s18+$0x16160] =	vst v0  }
0x66: {  	v0 =	vld [tilespmem:$0x160F0];
	_ =	sdelay $0x4  }
0x67: {  	[tilespmem:s18+$0x16170] =	vst v0  }
0x68: {  	v0 =	vld [tilespmem:$0x16100];
	_ =	sdelay $0x4  }
0x69: {  	[tilespmem:s18+$0x16180] =	vst v0  }
0x6a: {  	v0 =	vld [tilespmem:$0x16110];
	_ =	sdelay $0x4  }
0x6b: {  	[tilespmem:s18+$0x16190] =	vst v0  }
0x6c: {  	v0 =	vld [tilespmem:$0x16120];
	_ =	sdelay $0x4  }
0x6d: {  	[tilespmem:s18+$0x161A0] =	vst v0  }
0x6e: {  	v0 =	vld [tilespmem:$0x16130]  }
.Ltmp3:
0x6f: {  	_ = 	snop;
	(pc) =	sbr.rel @!p1 .LBB2_4-.Ltmp3, $2  }
0x70: {  	_ =	sdelay $0x2  }
0x71: {  	[tilespmem:s18+$0x161B0] =	vst v0  }
0x72: {  	[spmem:s17] =	stream.linear.scatter [tilespmem:s0], [sflag:$0x6], $0x4000, $0x38;
	[tilespmem:$0x1E240] =	vst v63  }
0x73: {  	_ =	swait.ge [sflag:s31], $0x4000  }
0x74: {  	[sflag:s31] =	ssyncset.done $0x0  }
0x75: {  	s14 =	rddreg [dreg:$0x10];
	[sflag:s31] =	ssyncadd.s32 $0xFFFFC000  }
0x76: {  	[spmem:s14] =	stream.linear.scatter [tilespmem:s0], [sflag:$0x6], $0x4000, $0x38;
	[tilespmem:$0x1E240] =	vst v63  }
0x77: {  	_ =	swait.ge [sflag:s31], $0x4000  }
0x78: {  	[sflag:s31] =	ssyncset.done $0x0  }
0x79: {  	s25 =	rddreg [dreg:$0x11];
	[sflag:s31] =	ssyncadd.s32 $0xFFFFC000  }
0x7a: {  	[spmem:s25] =	stream.linear.scatter [tilespmem:s0], [sflag:$0x6], $0x4000, $0x38;
	[tilespmem:$0x1E240] =	vst v63  }
0x7b: {  	_ =	swait.ge [sflag:s31], $0x4000  }
0x7c: {  	[sflag:s31] =	ssyncset.done $0x0  }
0x7d: {  	s26 =	rddreg [dreg:$0x12];
	[sflag:s31] =	ssyncadd.s32 $0xFFFFC000  }
0x7e: {  	[spmem:s26] =	stream.linear.scatter [tilespmem:s0], [sflag:$0x6], $0x4000, $0x38;
	[tilespmem:$0x1E240] =	vst v63  }
0x7f: {  	_ =	swait.ge [sflag:s31], $0x4000  }
0x80: {  	[sflag:s31] =	ssyncset.done $0x0  }
0x81: {  	s28 =	rddreg [dreg:$0x13];
	[sflag:s31] =	ssyncadd.s32 $0xFFFFC000  }
0x82: {  	[spmem:s28] =	stream.linear.scatter [tilespmem:s0], [sflag:$0x6], $0x4000, $0x38;
	[tilespmem:$0x1E240] =	vst v63  }
0x83: {  	_ =	swait.ge [sflag:s31], $0x4000  }
0x84: {  	[sflag:s31] =	ssyncset.done $0x0  }
0x85: {  	[sflag:s31] =	ssyncadd.s32 $0xFFFFC000  }
0x86: {  	_ =	swait.ge [sflag:s10], $0x1900  }
0x87: {  	[sflag:s10] =	ssyncset.done $0x0  }
0x88: {  	[sflag:s10] =	ssyncadd.s32 $0xFFFFE700  }
0x89: {  	[bflag:$0x0] =	sbarrier.arrive $0xFFFF  }
0x8a: {  	s18 =	rddreg [dreg:$0x7]  }
0x8b: {  	[tilespmem:s11], [sflag:$0x4] =	stream.linear.gather [hbm4b:s18+s4], $0x80, $0x38;
	[tilespmem:$0x1E240] =	vst v63  }
0x8c: {  	s14 =	rddreg [dreg:$0x8]  }
0x8d: {  	[tilespmem:s13], [sflag:$0x5] =	stream.linear.gather [hbm4b:s14+s4], $0x80, $0x38;
	[tilespmem:$0x1E240] =	vst v63  }
0x8e: {  	s18 =	simm.s32 $0x138C0  }
0x8f: {  	[tilespmem:s0], [sflag:$0x2] =	stream.indirect.gather [hbm4b:s12+s15], $0x80, s18, s15, $0xb8;
	[tilespmem:$0x1E240] =	vst v63  }
0x90: {  	s24 =	simm.s32 $0x13940  }
0x91: {  	[tilespmem:s30], [sflag:$0x3] =	stream.indirect.gather [hbm4b:s12+s15], $0x80, s24, s15, $0xb8;
	[tilespmem:$0x1E240] =	vst v63  }
0x92: {  	_ =	swait.ge [sflag:s19], $0x4000  }
0x93: {  	[sflag:s19] =	ssyncset.done $0x0  }
0x94: {  	[sflag:s19] =	ssyncadd.s32 $0xFFFFC000  }
0x95: {  	_ =	swait.ge [sflag:s21], $0x80  }
0x96: {  	[sflag:s21] =	ssyncset.done $0x0  }
0x97: {  	[sflag:s21] =	ssyncadd.s32 $0xFFFFFF80  }
0x98: {  	[spmem:s2] =	stream.indirect.scatter.add.f32 [tilespmem:s0], [sflag:$0x6], $0x80, s11, s15, $0xb8;
	[tilespmem:$0x1E240] =	vst v63  }
0x99: {  	_ =	swait.ge [sflag:s31], $0x4000  }
0x9a: {  	[sflag:s31] =	ssyncset.done $0x0  }
0x9b: {  	s25 =	simm.s32 $0x139C0;
	s24 =	sadd.s32 $0xFFFFFD00, s1;
	[sflag:s31] =	ssyncadd.s32 $0xFFFFC000  }
0x9c: {  	[tilespmem:s0], [sflag:$0x2] =	stream.indirect.gather [hbm4b:s12+s15], $0x80, s25, s15, $0xb8;
	[tilespmem:$0x1E240] =	vst v63  }
0x9d: {  	s26 =	sadd.s32 $0x4E20, s24  }
0x9e: {  	[tilespmem:s11], [sflag:$0x4] =	stream.linear.gather [hbm4b:s26+s4], $0x80, $0x38;
	[tilespmem:$0x1E240] =	vst v63  }
0x9f: {  	_ =	swait.ge [sflag:s22], $0x4000  }
0xa0: {  	[sflag:s22] =	ssyncset.done $0x0  }
0xa1: {  	[sflag:s22] =	ssyncadd.s32 $0xFFFFC000  }
0xa2: {  	_ =	swait.ge [sflag:s23], $0x80  }
0xa3: {  	[sflag:s23] =	ssyncset.done $0x0  }
0xa4: {  	[sflag:s23] =	ssyncadd.s32 $0xFFFFFF80  }
0xa5: {  	[spmem:s2] =	stream.indirect.scatter.add.f32 [tilespmem:s30], [sflag:$0x6], $0x80, s13, s15, $0xb8;
	[tilespmem:$0x1E240] =	vst v63  }
0xa6: {  	_ =	swait.ge [sflag:s31], $0x4000  }
0xa7: {  	s28 =	simm.s32 $0x13A40;
	s18 =	simm.s32 $0xFFFFFD20;
	[sflag:s31] =	ssyncset.done $0x0  }
0xa8: {  	s25 =	sadd.s32 $0x4E30, s24;
	s24 =	simm.s32 $0x13B40;
	[sflag:s31] =	ssyncadd.s32 $0xFFFFC000  }
0xa9: {  	[tilespmem:s30], [sflag:$0x3] =	stream.indirect.gather [hbm4b:s12+s15], $0x80, s28, s15, $0xb8;
	[tilespmem:$0x1E240] =	vst v63  }
.LBB2_8:
0xaa: {  	[tilespmem:s13], [sflag:$0x5] =	stream.linear.gather [hbm4b:s25+s4], $0x80, $0x38;
	[tilespmem:$0x1E240] =	vst v63  }
0xab: {  	s25 =	smov.u32 s18  }
0xac: {  	p2 =	seq.s32 s18, $0xFFFFFFE0;
	s18 =	sadd.s32 $0x20, s18;
	_ =	swait.ge [sflag:s19], $0x4000  }
0xad: {  	[sflag:s19] =	ssyncset.done $0x0  }
0xae: {  	[sflag:s19] =	ssyncadd.s32 $0xFFFFC000  }
0xaf: {  	_ =	swait.ge [sflag:s21], $0x80  }
0xb0: {  	[sflag:s21] =	ssyncset.done $0x0  }
0xb1: {  	[sflag:s21] =	ssyncadd.s32 $0xFFFFFF80  }
0xb2: {  	[spmem:s2] =	stream.indirect.scatter.add.f32 [tilespmem:s0], [sflag:$0x6], $0x80, s11, s15, $0xb8;
	[tilespmem:$0x1E240] =	vst v63  }
0xb3: {  	_ =	swait.ge [sflag:s31], $0x4000  }
0xb4: {  	[sflag:s31] =	ssyncset.done $0x0  }
0xb5: {  	s26 =	sadd.s32 $0xFFFFFF80, s24;
	s25 =	sadd.s32 s25, s1;
	[sflag:s31] =	ssyncadd.s32 $0xFFFFC000  }
0xb6: {  	[tilespmem:s0], [sflag:$0x2] =	stream.indirect.gather [hbm4b:s12+s15], $0x80, s26, s15, $0xb8;
	[tilespmem:$0x1E240] =	vst v63  }
0xb7: {  	s26 =	sadd.s32 $0x4E20, s25  }
0xb8: {  	[tilespmem:s11], [sflag:$0x4] =	stream.linear.gather [hbm4b:s26+s4], $0x80, $0x38;
	[tilespmem:$0x1E240] =	vst v63  }
0xb9: {  	_ =	swait.ge [sflag:s22], $0x4000  }
0xba: {  	[sflag:s22] =	ssyncset.done $0x0  }
0xbb: {  	[sflag:s22] =	ssyncadd.s32 $0xFFFFC000  }
0xbc: {  	_ =	swait.ge [sflag:s23], $0x80  }
0xbd: {  	[sflag:s23] =	ssyncset.done $0x0  }
0xbe: {  	[sflag:s23] =	ssyncadd.s32 $0xFFFFFF80  }
0xbf: {  	[spmem:s2] =	stream.indirect.scatter.add.f32 [tilespmem:s30], [sflag:$0x6], $0x80, s13, s15, $0xb8;
	[tilespmem:$0x1E240] =	vst v63  }
.Ltmp4:
0xc0: {  	_ =	swait.ge [sflag:s31], $0x4000;
	(pc) =	sbr.rel @!p2 .LBB2_8-.Ltmp4, $4  }
0xc1: {  	[sflag:s31] =	ssyncset.done $0x0  }
0xc2: {  	[sflag:s31] =	ssyncadd.s32 $0xFFFFC000  }
0xc3: {  	[tilespmem:s30], [sflag:$0x3] =	stream.indirect.gather [hbm4b:s12+s15], $0x80, s24, s15, $0xb8;
	[tilespmem:$0x1E240] =	vst v63  }
0xc4: {  	s25 =	sadd.s32 $0x4E30, s25;
	s24 =	sadd.s32 $0x100, s24  }
0xc5: {  	[tilespmem:s13], [sflag:$0x5] =	stream.linear.gather [hbm4b:s25+s4], $0x80, $0x38;
	[tilespmem:$0x1E240] =	vst v63  }
0xc6: {  	_ =	swait.ge [sflag:s19], $0x4000  }
0xc7: {  	[sflag:s19] =	ssyncset.done $0x0  }
0xc8: {  	[sflag:s19] =	ssyncadd.s32 $0xFFFFC000  }
0xc9: {  	_ =	swait.ge [sflag:s21], $0x80  }
0xca: {  	[sflag:s21] =	ssyncset.done $0x0  }
0xcb: {  	[sflag:s21] =	ssyncadd.s32 $0xFFFFFF80  }
0xcc: {  	[spmem:s2] =	stream.indirect.scatter.add.f32 [tilespmem:s0], [sflag:$0x6], $0x80, s11, s15, $0xb8;
	[tilespmem:$0x1E240] =	vst v63  }
0xcd: {  	_ =	swait.ge [sflag:s31], $0x4000  }
0xce: {  	[sflag:s31] =	ssyncset.done $0x0  }
0xcf: {  	[sflag:s31] =	ssyncadd.s32 $0xFFFFC000  }
0xd0: {  	_ =	swait.ge [sflag:s22], $0x4000  }
0xd1: {  	[sflag:s22] =	ssyncset.done $0x0  }
0xd2: {  	[sflag:s22] =	ssyncadd.s32 $0xFFFFC000  }
0xd3: {  	_ =	swait.ge [sflag:s23], $0x80  }
0xd4: {  	[sflag:s23] =	ssyncset.done $0x0  }
0xd5: {  	[sflag:s23] =	ssyncadd.s32 $0xFFFFFF80  }
0xd6: {  	[spmem:s2] =	stream.indirect.scatter.add.f32 [tilespmem:s30], [sflag:$0x6], $0x80, s13, s15, $0xb8;
	[tilespmem:$0x1E240] =	vst v63  }
0xd7: {  	_ =	swait.ge [sflag:s31], $0x4000  }
0xd8: {  	[sflag:s31] =	ssyncset.done $0x0  }
0xd9: {  	s18 =	sshrl.u32 @p0 s17, $0x3;
	[sflag:s31] =	ssyncadd.s32 $0xFFFFC000  }
0xda: {  	s24 =	simm.s32 @p0 $0x8;
	s25 =	simm.s32 @p0 $0x100;
	[bflag:$0x0] =	sbarrier.arrive $0xFFFF  }
0xdb: {  	s26 =	simm.s32 @p0 $0x80;
	s28 =	simm.s32 @p0 $0x1FC6;
	s14 =	rddreg [dreg:$0xb]  }
0xdc: {  	[hbm:s14@s25], [sflag:s28] =	dma.strided @p0 [spmem:s18@s26], $0x2800, s24, $0x10   }
0xdd: {  	s18 =	simm.s32 @p0 $0x6  }
0xde: {  	s24 =	simm.s32 @!p0 $0x8;
	s25 =	simm.s32 @!p0 $0x100;
	_ =	swait.ge @p0 [sflag:s18], $0x2800  }
0xdf: {  	s26 =	simm.s32 @!p0 $0x80;
	s28 =	simm.s32 @!p0 $0x1FC6;
	[sflag:s18] =	ssyncset.done @p0 $0x0  }
0xe0: {  	s14 =	rddreg [dreg:$0xc];
	[sflag:s18] =	ssyncadd.s32 @p0 $0xFFFFD800;
	s18 =	sshrl.u32 @!p0 s17, $0x3  }
0xe1: {  	[hbm:s14@s25], [sflag:s28] =	dma.strided @!p0 [spmem:s18@s26], $0x2800, s24, $0x10   }
.Ltmp5:
0xe2: {  	_ = 	snop;
	(pc) =	sbr.rel .LBB2_10-.Ltmp5, $4  }
0xe3: {  	s18 =	simm.s32 @!p0 $0x6  }
0xe4: {  	_ =	swait.ge @!p0 [sflag:s18], $0x2800  }
0xe5: {  	[sflag:s18] =	ssyncset.done @!p0 $0x0  }
0xe6: {  	[sflag:s18] =	ssyncadd.s32 @!p0 $0xFFFFD800  }
.LBB2_4:
0xe7: {  	[spmem:s8] =	stream.linear.scatter [tilespmem:s0], [sflag:$0x6], $0x4000, $0x38;
	[tilespmem:$0x1E240] =	vst v63  }
0xe8: {  	_ =	swait.ge [sflag:s31], $0x4000  }
0xe9: {  	[sflag:s31] =	ssyncset.done $0x0  }
0xea: {  	s14 =	rddreg [dreg:$0xd];
	[sflag:s31] =	ssyncadd.s32 $0xFFFFC000  }
0xeb: {  	[spmem:s14] =	stream.linear.scatter [tilespmem:s0], [sflag:$0x6], $0x4000, $0x38;
	[tilespmem:$0x1E240] =	vst v63  }
0xec: {  	_ =	swait.ge [sflag:s31], $0x4000  }
0xed: {  	[sflag:s31] =	ssyncset.done $0x0  }
0xee: {  	s26 =	rddreg [dreg:$0xe];
	[sflag:s31] =	ssyncadd.s32 $0xFFFFC000  }
0xef: {  	[spmem:s26] =	stream.linear.scatter [tilespmem:s0], [sflag:$0x6], $0x4000, $0x38;
	[tilespmem:$0x1E240] =	vst v63  }
0xf0: {  	_ =	swait.ge [sflag:s31], $0x4000  }
0xf1: {  	[sflag:s31] =	ssyncset.done $0x0  }
0xf2: {  	s28 =	rddreg [dreg:$0xf];
	[sflag:s31] =	ssyncadd.s32 $0xFFFFC000  }
0xf3: {  	[spmem:s28] =	stream.linear.scatter [tilespmem:s0], [sflag:$0x6], $0x4000, $0x38;
	[tilespmem:$0x1E240] =	vst v63  }
0xf4: {  	_ =	swait.ge [sflag:s31], $0x4000  }
0xf5: {  	[sflag:s31] =	ssyncset.done $0x0  }
0xf6: {  	s18 =	rddreg [dreg:$0x5];
	[sflag:s31] =	ssyncadd.s32 $0xFFFFC000  }
0xf7: {  	[spmem:s18] =	stream.linear.scatter [tilespmem:s0], [sflag:$0x6], $0x3800, $0x38;
	[tilespmem:$0x1E240] =	vst v63  }
0xf8: {  	_ =	swait.ge [sflag:s31], $0x3800  }
0xf9: {  	[sflag:s31] =	ssyncset.done $0x0  }
0xfa: {  	[sflag:s31] =	ssyncadd.s32 $0xFFFFC800  }
0xfb: {  	_ =	swait.ge [sflag:s10], $0x2800  }
0xfc: {  	[sflag:s10] =	ssyncset.done $0x0  }
0xfd: {  	[sflag:s10] =	ssyncadd.s32 $0xFFFFD800  }
0xfe: {  	[bflag:$0x0] =	sbarrier.arrive $0xFFFF  }
0xff: {  	[tilespmem:s11], [sflag:$0x4] =	stream.linear.gather [hbm4b:s5+s4], $0x80, $0x38;
	[tilespmem:$0x1E240] =	vst v63  }
0x100: {  	s14 =	rddreg [dreg:$0x6]  }
0x101: {  	[tilespmem:s13], [sflag:$0x5] =	stream.linear.gather [hbm4b:s14+s4], $0x80, $0x38;
	[tilespmem:$0x1E240] =	vst v63  }
0x102: {  	s24 =	simm.s32 $0x138C0  }
0x103: {  	[tilespmem:s0], [sflag:$0x2] =	stream.indirect.gather [hbm4b:s12+s15], $0x80, s24, s15, $0xb8;
	[tilespmem:$0x1E240] =	vst v63  }
0x104: {  	s25 =	simm.s32 $0x13940  }
0x105: {  	[tilespmem:s30], [sflag:$0x3] =	stream.indirect.gather [hbm4b:s12+s15], $0x80, s25, s15, $0xb8;
	[tilespmem:$0x1E240] =	vst v63  }
0x106: {  	_ =	swait.ge [sflag:s19], $0x4000  }
0x107: {  	[sflag:s19] =	ssyncset.done $0x0  }
0x108: {  	[sflag:s19] =	ssyncadd.s32 $0xFFFFC000  }
0x109: {  	_ =	swait.ge [sflag:s21], $0x80  }
0x10a: {  	[sflag:s21] =	ssyncset.done $0x0  }
0x10b: {  	[sflag:s21] =	ssyncadd.s32 $0xFFFFFF80  }
0x10c: {  	[spmem:s2] =	stream.indirect.scatter.add.f32 [tilespmem:s0], [sflag:$0x6], $0x80, s11, s15, $0xb8;
	[tilespmem:$0x1E240] =	vst v63  }
0x10d: {  	_ =	swait.ge [sflag:s31], $0x4000  }
0x10e: {  	[sflag:s31] =	ssyncset.done $0x0  }
0x10f: {  	s26 =	simm.s32 $0x139C0;
	[sflag:s31] =	ssyncadd.s32 $0xFFFFC000  }
0x110: {  	[tilespmem:s0], [sflag:$0x2] =	stream.indirect.gather [hbm4b:s12+s15], $0x80, s26, s15, $0xb8;
	[tilespmem:$0x1E240] =	vst v63  }
0x111: {  	_ = 	snop  }
0x112: {  	[tilespmem:s11], [sflag:$0x4] =	stream.linear.gather [hbm4b:s29+s4], $0x80, $0x38;
	[tilespmem:$0x1E240] =	vst v63  }
0x113: {  	_ =	swait.ge [sflag:s22], $0x4000  }
0x114: {  	[sflag:s22] =	ssyncset.done $0x0  }
0x115: {  	[sflag:s22] =	ssyncadd.s32 $0xFFFFC000  }
0x116: {  	_ =	swait.ge [sflag:s23], $0x80  }
0x117: {  	[sflag:s23] =	ssyncset.done $0x0  }
0x118: {  	[sflag:s23] =	ssyncadd.s32 $0xFFFFFF80  }
0x119: {  	[spmem:s2] =	stream.indirect.scatter.add.f32 [tilespmem:s30], [sflag:$0x6], $0x80, s13, s15, $0xb8;
	[tilespmem:$0x1E240] =	vst v63  }
0x11a: {  	_ =	swait.ge [sflag:s31], $0x4000  }
0x11b: {  	s28 =	simm.s32 $0x13A40;
	s18 =	simm.s32 $0xFFFF6800;
	[sflag:s31] =	ssyncset.done $0x0  }
0x11c: {  	s24 =	sadd.s32 $0x20, s29;
	s25 =	sadd.s32 $0x10, s29;
	[sflag:s31] =	ssyncadd.s32 $0xFFFFC000  }
0x11d: {  	[tilespmem:s30], [sflag:$0x3] =	stream.indirect.gather [hbm4b:s12+s15], $0x80, s28, s15, $0xb8;
	[tilespmem:$0x1E240] =	vst v63  }
.LBB2_5:
0x11e: {  	[tilespmem:s13], [sflag:$0x5] =	stream.linear.gather [hbm4b:s25+s4], $0x80, $0x38;
	[tilespmem:$0x1E240] =	vst v63  }
0x11f: {  	s25 =	smov.u32 s18  }
0x120: {  	p2 =	seq.s32 s18, $0xFFFFFC00;
	s18 =	sadd.s32 $0x400, s18;
	_ =	swait.ge [sflag:s19], $0x4000  }
0x121: {  	[sflag:s19] =	ssyncset.done $0x0  }
0x122: {  	[sflag:s19] =	ssyncadd.s32 $0xFFFFC000  }
0x123: {  	_ =	swait.ge [sflag:s21], $0x80  }
0x124: {  	[sflag:s21] =	ssyncset.done $0x0  }
0x125: {  	[sflag:s21] =	ssyncadd.s32 $0xFFFFFF80  }
0x126: {  	[spmem:s2] =	stream.indirect.scatter.add.f32 [tilespmem:s0], [sflag:$0x6], $0x80, s11, s15, $0xb8;
	[tilespmem:$0x1E240] =	vst v63  }
0x127: {  	_ =	swait.ge [sflag:s31], $0x4000  }
0x128: {  	s25 =	sshra.s32 s25, $0x2;
	[sflag:s31] =	ssyncset.done $0x0  }
0x129: {  	s26 =	sadd.s32 $0x160C0, s25;
	[sflag:s31] =	ssyncadd.s32 $0xFFFFC000  }
0x12a: {  	[tilespmem:s0], [sflag:$0x2] =	stream.indirect.gather [hbm4b:s12+s15], $0x80, s26, s15, $0xb8;
	[tilespmem:$0x1E240] =	vst v63  }
0x12b: {  	_ = 	snop  }
0x12c: {  	[tilespmem:s11], [sflag:$0x4] =	stream.linear.gather [hbm4b:s24+s4], $0x80, $0x38;
	[tilespmem:$0x1E240] =	vst v63  }
0x12d: {  	_ =	swait.ge [sflag:s22], $0x4000  }
0x12e: {  	[sflag:s22] =	ssyncset.done $0x0  }
0x12f: {  	[sflag:s22] =	ssyncadd.s32 $0xFFFFC000  }
0x130: {  	_ =	swait.ge [sflag:s23], $0x80  }
0x131: {  	[sflag:s23] =	ssyncset.done $0x0  }
0x132: {  	[sflag:s23] =	ssyncadd.s32 $0xFFFFFF80  }
0x133: {  	[spmem:s2] =	stream.indirect.scatter.add.f32 [tilespmem:s30], [sflag:$0x6], $0x80, s13, s15, $0xb8;
	[tilespmem:$0x1E240] =	vst v63  }
.Ltmp6:
0x134: {  	_ =	swait.ge [sflag:s31], $0x4000;
	(pc) =	sbr.rel @!p2 .LBB2_5-.Ltmp6, $4  }
0x135: {  	[sflag:s31] =	ssyncset.done $0x0  }
0x136: {  	s25 =	sadd.s32 $0x16140, s25;
	[sflag:s31] =	ssyncadd.s32 $0xFFFFC000  }
0x137: {  	[tilespmem:s30], [sflag:$0x3] =	stream.indirect.gather [hbm4b:s12+s15], $0x80, s25, s15, $0xb8;
	[tilespmem:$0x1E240] =	vst v63  }
0x138: {  	s25 =	sadd.s32 $0x10, s24;
	s24 =	sadd.s32 $0x20, s24  }
.Ltmp7:
0x139: {  	_ = 	snop;
	(pc) =	sbr.rel .LBB2_6-.Ltmp7, $1  }
0x13a: {  	_ =	sdelay $0x3  }
.LBB2_11:
0x13b: {  	_ =	sfence.sel $0x180000  }
0x13c: {  	[bflag:$0x0] =	sbarrier.arrive $0xFFFF  }
0x13d: {  	_ =	strace $0x90000047  }
0x13e: {  	[bflag:$0x2] =	sbarrier.arrive $0xFFFF  }
0x13f: {  	p0 =	sne.s32 s3, $0x0;
	s0 =	rddreg [dreg:$0x4]  }
0x140: {  	s0 =	sadd.s32 @!p0 $0x100000, s0  }
0x141: {  	[sflag:s0] =	ssyncadd.tile.s32 @!p0 $0x1;
	_ =	shalt  }
.Lfunc_end2:
_tile_overlayer_lowered:
.L_overlay_start_2:
0x142: {  	(tag) =	ssettag $0x2  }
0x143: {  	s0 =	rddreg [dreg:$0x0];
	s2 =	stileid.u32  }
0x144: {  	s1 =	rddreg [dreg:$0x1];
	p0 =	sne.s32 s2, $0x0  }
0x145: {  	s3 =	rddreg [dreg:$0x2];
	[bflag:$0x3] =	sbarrier.arrive $0xFFFF;
	s2 =	simm.s32 @!p0 $0x1C06  }
0x146: {  	[timem:s3], [sflag:s2] =	dma.local @!p0 [hbm:s0], s1  }
0x147: {  	s0 =	simm.s32 @!p0 $0x6  }
0x148: {  	_ =	swait.ge @!p0 [sflag:s0], s1  }
0x149: {  	s1 =	ssub.s32 @!p0 $0x0, s1;
	[sflag:s0] =	ssyncset.done @!p0 $0x0  }
0x14a: {  	[sflag:s0] =	ssyncadd.s32 @!p0 s1  }
0x14b: {  	[bflag:$0x3] =	sbarrier.arrive $0xFFFF  }
0x14c: {  	_ =	shalt  }

</sc_bundles>
